<compile_context>
chip_gen: v7x
topology: tpu7x:2x2x1
jax: 0.10.2.dev20260603
libtpu: 0.0.44.dev20260713+nightly
codegen_flags: <defaults>
</compile_context>

<pallas_src>
import functools

import jax
import jax.numpy as jnp
from jax import lax
from jax.experimental import pallas as pl
from jax.experimental.pallas import tpu as pltpu
from jax.experimental.pallas import tpu_sc as plsc

N = 10000
E = 320000
D = 128
H = 128
C = 10

NC = 2
NS = 16
NW = NC * NS
KD = 128
TCHD = E // KD
K = 80
CPW = E // K // NW
ACC = 10240
ZR = ACC // NS
ZCH = 128
NSL = 2
NSLS = 2

_mesh = plsc.VectorSubcoreMesh(core_axis_name="c", subcore_axis_name="s")


@functools.partial(
    pl.kernel,
    out_type=[
        jax.ShapeDtypeStruct((NC, ACC), jnp.float32),
        jax.ShapeDtypeStruct((NC, ACC), jnp.float32),
    ],
    mesh=_mesh,
    scratch_types=[
        pltpu.VMEM((KD,), jnp.int32),
        pltpu.VMEM((KD,), jnp.int32),
        pltpu.VMEM((KD,), jnp.int32),
        pltpu.VMEM((KD,), jnp.int32),
        pltpu.VMEM((KD,), jnp.float32),
        pltpu.VMEM((ZR,), jnp.float32),
        pltpu.VMEM_SHARED((ACC,), jnp.float32),
        pltpu.VMEM_SHARED((ACC,), jnp.float32),
        pltpu.SemaphoreType.DMA,
        pltpu.SemaphoreType.DMA,
    ],
)
def _deg_kernel(src_hbm, dst_hbm, ones_hbm, z1_hbm,
                do_out, di_out, sidx0, didx0, sidx1, didx1, ones_v, z1_v,
                do_acc, di_acc, isem0, isem1):
    cid = lax.axis_index("c")
    sid = lax.axis_index("s")
    wid = cid * NS + sid

    pltpu.sync_copy(z1_hbm, z1_v)
    pltpu.sync_copy(z1_v, do_acc.at[pl.ds(sid * ZR, ZR)])
    pltpu.sync_copy(z1_v, di_acc.at[pl.ds(sid * ZR, ZR)])
    pltpu.sync_copy(ones_hbm, ones_v)
    plsc.subcore_barrier()

    start = (wid * TCHD) // NW
    end = ((wid + 1) * TCHD) // NW
    ncw = end - start
    nfull = ncw // NSL
    sidx = (sidx0, sidx1)
    didx = (didx0, didx1)
    isem = (isem0, isem1)

    def body(t, carry):
        c0 = start + t * NSL
        descs = []
        for k in range(NSL):
            off = pl.multiple_of((c0 + k) * KD, 8)
            descs.append(pltpu.async_copy(
                src_hbm.at[pl.ds(off, KD)], sidx[k], isem[k]))
            descs.append(pltpu.async_copy(
                dst_hbm.at[pl.ds(off, KD)], didx[k], isem[k]))
        for k in range(NSL):
            descs[2 * k].wait()
            descs[2 * k + 1].wait()
            pltpu.sync_copy(ones_v, do_acc.at[sidx[k]], add=True)
            pltpu.sync_copy(ones_v, di_acc.at[didx[k]], add=True)
        return carry

    lax.fori_loop(0, nfull, body, 0)

    @pl.when(ncw - nfull * NSL > 0)
    def _():
        off = pl.multiple_of((start + nfull * NSL) * KD, 8)
        pltpu.sync_copy(src_hbm.at[pl.ds(off, KD)], sidx0)
        pltpu.sync_copy(ones_v, do_acc.at[sidx0], add=True)
        pltpu.sync_copy(dst_hbm.at[pl.ds(off, KD)], didx0)
        pltpu.sync_copy(ones_v, di_acc.at[didx0], add=True)

    plsc.subcore_barrier()

    r0 = sid * ZR
    pltpu.sync_copy(do_acc.at[pl.ds(r0, ZR)], do_out.at[cid, pl.ds(r0, ZR)])
    pltpu.sync_copy(di_acc.at[pl.ds(r0, ZR)], di_out.at[cid, pl.ds(r0, ZR)])


@functools.partial(
    pl.kernel,
    out_type=[
        jax.ShapeDtypeStruct((NC, ACC, D), jnp.float32),
        jax.ShapeDtypeStruct((NC, ACC), jnp.float32),
    ],
    mesh=_mesh,
    scratch_types=[
        pltpu.VMEM((K,), jnp.int32),
        pltpu.VMEM((K,), jnp.int32),
        pltpu.VMEM((K,), jnp.int32),
        pltpu.VMEM((K,), jnp.int32),
        pltpu.VMEM((K, D), jnp.float32),
        pltpu.VMEM((K, D), jnp.float32),
        pltpu.VMEM((K,), jnp.float32),
        pltpu.VMEM((K,), jnp.float32),
        pltpu.VMEM((ZCH, D), jnp.float32),
        pltpu.VMEM((ZR,), jnp.float32),
        pltpu.VMEM_SHARED((ACC, D), jnp.float32),
        pltpu.VMEM_SHARED((ACC,), jnp.float32),
        pltpu.SemaphoreType.DMA,
        pltpu.SemaphoreType.DMA,
        pltpu.SemaphoreType.DMA,
        pltpu.SemaphoreType.DMA,
        pltpu.SemaphoreType.DMA,
        pltpu.SemaphoreType.DMA,
    ],
)
def _spmm_kernel(xp_hbm, ndst_hbm, src_hbm, dst_hbm, zrows_hbm, z1_hbm,
                 agg_out, c_out,
                 sidx0, didx0, sidx1, didx1, rows0, rows1, nv0, nv1,
                 zb_v, z1_v, agg_acc, c_acc,
                 isem0, isem1, gsem0, gsem1, ssem0, ssem1):
    cid = lax.axis_index("c")
    sid = lax.axis_index("s")
    wid = cid * NS + sid

    pltpu.sync_copy(zrows_hbm, zb_v)
    for z in range(ZR // ZCH):
        pltpu.sync_copy(zb_v, agg_acc.at[pl.ds(sid * ZR + z * ZCH, ZCH)])
    pltpu.sync_copy(z1_hbm, z1_v)
    pltpu.sync_copy(z1_v, c_acc.at[pl.ds(sid * ZR, ZR)])
    plsc.subcore_barrier()

    start = wid * CPW
    nfull = CPW // NSLS
    sidx = (sidx0, sidx1)
    didx = (didx0, didx1)
    rows = (rows0, rows1)
    nv = (nv0, nv1)
    isem = (isem0, isem1)
    gsem = (gsem0, gsem1)
    ssem = (ssem0, ssem1)

    def drain_scatter(k):
        pltpu.make_async_copy(rows[k], agg_acc.at[didx[k]], ssem[k]).wait()
        pltpu.make_async_copy(nv[k], c_acc.at[sidx[k]], ssem[k]).wait()

    def body(t, carry):
        @pl.when(t > 0)
        def _():
            for k in range(NSLS):
                drain_scatter(k)
        c0 = start + t * NSLS
        idescs = []
        for k in range(NSLS):
            off = pl.multiple_of((c0 + k) * K, 8)
            idescs.append(pltpu.async_copy(
                src_hbm.at[pl.ds(off, K)], sidx[k], isem[k]))
            idescs.append(pltpu.async_copy(
                dst_hbm.at[pl.ds(off, K)], didx[k], isem[k]))
        gdescs = []
        for k in range(NSLS):
            idescs[2 * k].wait()
            idescs[2 * k + 1].wait()
            gdescs.append(pltpu.async_copy(
                xp_hbm.at[sidx[k]], rows[k], gsem[k]))
            gdescs.append(pltpu.async_copy(
                ndst_hbm.at[didx[k]], nv[k], gsem[k]))
        for k in range(NSLS):
            gdescs[2 * k].wait()
            gdescs[2 * k + 1].wait()
            pltpu.async_copy(rows[k], agg_acc.at[didx[k]], ssem[k], add=True)
            pltpu.async_copy(nv[k], c_acc.at[sidx[k]], ssem[k], add=True)
        return carry

    lax.fori_loop(0, nfull, body, 0)
    for k in range(NSLS):
        drain_scatter(k)

    for j in range(CPW - (CPW // NSLS) * NSLS):
        off = pl.multiple_of((start + (CPW // NSLS) * NSLS + j) * K, 8)
        pltpu.sync_copy(src_hbm.at[pl.ds(off, K)], sidx0)
        pltpu.sync_copy(dst_hbm.at[pl.ds(off, K)], didx0)
        pltpu.async_copy(xp_hbm.at[sidx0], rows0, gsem0).wait()
        pltpu.sync_copy(ndst_hbm.at[didx0], nv0)
        pltpu.sync_copy(rows0, agg_acc.at[didx0], add=True)
        pltpu.sync_copy(nv0, c_acc.at[sidx0], add=True)

    plsc.subcore_barrier()

    for z in range(ZR // ZCH):
        r0 = sid * ZR + z * ZCH
        pltpu.sync_copy(agg_acc.at[pl.ds(r0, ZCH)],
                        agg_out.at[cid, pl.ds(r0, ZCH)])
    r0 = sid * ZR
    pltpu.sync_copy(c_acc.at[pl.ds(r0, ZR)], c_out.at[cid, pl.ds(r0, ZR)])


def _prep_body(do_ref, di_ref, x_ref, ns_ref, nd_ref, xp_ref):
    do = do_ref[0] + do_ref[1]
    di = di_ref[0] + di_ref[1]
    ns = lax.rsqrt(jnp.maximum(do, 1.0))
    ns_ref[...] = ns
    nd_ref[...] = lax.rsqrt(jnp.maximum(di, 1.0))
    xp_ref[...] = x_ref[...] * ns


BLK = 1280


def _finish_body(agg_ref, nd_ref, ns_ref, c_ref,
                 w1_ref, b1_ref, w2_ref, b2_ref, wc_ref, bc_ref,
                 out_ref, acc_ref):
    i = pl.program_id(0)

    @pl.when(i == 0)
    def _():
        acc_ref[...] = jnp.zeros_like(acc_ref)

    agg = (agg_ref[0] + agg_ref[1]) * nd_ref[...]
    h1 = jnp.dot(agg, w1_ref[...], preferred_element_type=jnp.float32)
    h1 = h1 + b1_ref[...]
    g = jnp.maximum(h1, 0.0) * ns_ref[...]
    cvec = c_ref[0] + c_ref[1]
    acc_ref[...] += jnp.sum(g * cvec, axis=0, keepdims=True)

    @pl.when(i == pl.num_programs(0) - 1)
    def _():
        pooled = acc_ref[...] * (1.0 / N)
        hg = jnp.dot(pooled, w2_ref[...], preferred_element_type=jnp.float32)
        hg = hg + b2_ref[...]
        out_ref[...] = (
            jnp.dot(hg, wc_ref[...], preferred_element_type=jnp.float32)
            + bc_ref[...])


def kernel(in_feat, edge_index, W1, b1, W2, b2, Wc, bc):
    src = edge_index[0]
    dst = edge_index[1]
    ones_k = jnp.ones((KD,), jnp.float32)
    z1 = jnp.zeros((ZR,), jnp.float32)
    zrows = jnp.zeros((ZCH, D), jnp.float32)

    deg_out_p, deg_in_p = _deg_kernel(src, dst, ones_k, z1)

    ns, nd, xp = pl.pallas_call(
        _prep_body,
        out_shape=[
            jax.ShapeDtypeStruct((ACC, 1), jnp.float32),
            jax.ShapeDtypeStruct((ACC, 1), jnp.float32),
            jax.ShapeDtypeStruct((ACC, D), jnp.float32),
        ],
    )(deg_out_p.reshape(NC, ACC, 1), deg_in_p.reshape(NC, ACC, 1),
      jnp.pad(in_feat, ((0, ACC - N), (0, 0))))

    agg_p, c_p = _spmm_kernel(xp, nd.reshape(ACC), src, dst, zrows, z1)

    wc_pad = jnp.pad(Wc, ((0, 0), (0, D - C)))
    bc_pad = jnp.pad(bc, ((0, D - C)))

    grid = ACC // BLK
    out_pad = pl.pallas_call(
        _finish_body,
        grid=(grid,),
        in_specs=[
            pl.BlockSpec((NC, BLK, D), lambda i: (0, i, 0)),
            pl.BlockSpec((BLK, 1), lambda i: (i, 0)),
            pl.BlockSpec((BLK, 1), lambda i: (i, 0)),
            pl.BlockSpec((NC, BLK, 1), lambda i: (0, i, 0)),
            pl.BlockSpec((D, H), lambda i: (0, 0)),
            pl.BlockSpec((1, H), lambda i: (0, 0)),
            pl.BlockSpec((H, H), lambda i: (0, 0)),
            pl.BlockSpec((1, H), lambda i: (0, 0)),
            pl.BlockSpec((H, D), lambda i: (0, 0)),
            pl.BlockSpec((1, D), lambda i: (0, 0)),
        ],
        out_specs=pl.BlockSpec((1, D), lambda i: (0, 0)),
        out_shape=jax.ShapeDtypeStruct((1, D), jnp.float32),
        scratch_shapes=[pltpu.VMEM((1, D), jnp.float32)],
    )(agg_p, nd, ns, c_p.reshape(NC, ACC, 1),
      W1, b1.reshape(1, H), W2, b2.reshape(1, H), wc_pad, bc_pad.reshape(1, D))

    return out_pad[:, :C]

# --- scband reference (transcript-rebuilt; emitter-appended) ---
"""Pipeline reference for scband-gcn-55929064128859 (READ-ONLY COPY).

The authoritative reference and input builder live on the scoring server;
editing this copy changes nothing except your own understanding.
"""

import jax, jax.numpy as jnp
import numpy as np

N = 10000
E = 320000
D = 128
H = 128
C = 10


def setup_inputs(seed: int = 0) -> dict:
    key = jax.random.key(seed)
    k1, k2, k3, k4, k5, k6 = jax.random.split(key, 6)
    in_feat = jax.random.normal(k1, (N, D), dtype=jnp.float32)
    edge_index = jax.random.randint(k2, (2, E), 0, N, dtype=jnp.int32)
    W1 = jax.random.normal(k3, (D, H), dtype=jnp.float32) * 0.05
    b1 = jnp.zeros((H,), dtype=jnp.float32)
    W2 = jax.random.normal(k4, (H, H), dtype=jnp.float32) * 0.05
    b2 = jnp.zeros((H,), dtype=jnp.float32)
    Wc = jax.random.normal(k5, (H, C), dtype=jnp.float32) * 0.05
    bc = jnp.zeros((C,), dtype=jnp.float32)
    return {"in_feat": in_feat, "edge_index": edge_index, "W1": W1, "b1": b1, "W2": W2, "b2": b2, "Wc": Wc, "bc": bc}


def reference(in_feat, edge_index, W1, b1, W2, b2, Wc, bc):
    src = edge_index[0]
    dst = edge_index[1]
    ones = jnp.ones((E,), dtype=jnp.float32)
    deg_out = jax.ops.segment_sum(ones, src, num_segments=N)
    deg_in = jax.ops.segment_sum(ones, dst, num_segments=N)
    norm_src = 1.0 / jnp.sqrt(jnp.clip(deg_out, 1.0))
    norm_dst = 1.0 / jnp.sqrt(jnp.clip(deg_in, 1.0))

    def graph_conv(h, W, b):
        # DGL GraphConv with norm='both': symmetric normalization
        h = h * norm_src[:, None]
        msg = jnp.take(h, src, axis=0)
        agg = jax.ops.segment_sum(msg, dst, num_segments=N)
        agg = agg * norm_dst[:, None]
        return agg @ W + b

    h = graph_conv(in_feat, W1, b1)
    h = jax.nn.relu(h)
    h = graph_conv(h, W2, b2)
    # dgl.mean_nodes over a single graph -> mean over all nodes
    hg = jnp.mean(h, axis=0, keepdims=True)
    out = hg @ Wc + bc
    return out

if __name__ == "__main__":
    import jax
    _d = setup_inputs()
    print(jax.jit(kernel)(*tuple(_d.values())))

</pallas_src>

<mosaic_0001>
#map = affine_map<(d0, d1) -> (0)>
#map1 = affine_map<(d0, d1) -> (0, 0)>
module attributes {stable_mosaic.version = 14 : i64} {
  func.func @_deg_kernel(%arg0: i32, %arg1: i32, %arg2: memref<320000xi32, #tpu.memory_space<hbm>>, %arg3: memref<320000xi32, #tpu.memory_space<hbm>>, %arg4: memref<128xf32, #tpu.memory_space<hbm>>, %arg5: memref<640xf32, #tpu.memory_space<hbm>>, %arg6: memref<2x10240xf32, #tpu.memory_space<hbm>>, %arg7: memref<2x10240xf32, #tpu.memory_space<hbm>>, %arg8: memref<128xi32, #tpu.memory_space<vmem>>, %arg9: memref<128xi32, #tpu.memory_space<vmem>>, %arg10: memref<128xi32, #tpu.memory_space<vmem>>, %arg11: memref<128xi32, #tpu.memory_space<vmem>>, %arg12: memref<128xf32, #tpu.memory_space<vmem>>, %arg13: memref<640xf32, #tpu.memory_space<vmem>>, %arg14: memref<10240xf32, #tpu.memory_space<vmem_shared>>, %arg15: memref<10240xf32, #tpu.memory_space<vmem_shared>>, %arg16: memref<!tpu.dma_semaphore, #tpu.memory_space<semaphore_mem>>, %arg17: memref<!tpu.dma_semaphore, #tpu.memory_space<semaphore_mem>>) attributes {dimension_semantics = [#tpu.dimension_semantics<core_parallel>, #tpu.dimension_semantics<subcore_parallel>], iteration_bounds = array<i64: 2, 16>, scalar_prefetch = 0 : i64, scratch_operands = 10 : i64, tpu.core_type = #tpu.core_type<sc_vector_subcore>, window_params = [{transform_indices = #map}, {transform_indices = #map}, {transform_indices = #map}, {transform_indices = #map}, {transform_indices = #map1}, {transform_indices = #map1}]} {
    %mul3A = arith.constant 16 : i32
    %mul3A_0 = arith.muli %arg0, %mul3A : i32
    %add3A = arith.addi %mul3A_0, %arg1 : i32
    "tpu.region"() ({
      %run_scoped3A = tpu.sem_alloc : memref<!tpu.dma_semaphore, #tpu.memory_space<semaphore_mem>>
      tpu.enqueue_dma source(%arg5 : memref<640xf32, #tpu.memory_space<hbm>>) target(%arg13 : memref<640xf32, #tpu.memory_space<vmem>>) target_semaphore(%run_scoped3A : memref<!tpu.dma_semaphore, #tpu.memory_space<semaphore_mem>>)
      tpu.wait_dma2 semaphore(%run_scoped3A : memref<!tpu.dma_semaphore, #tpu.memory_space<semaphore_mem>>) src(%arg5 : memref<640xf32, #tpu.memory_space<hbm>>) dst(%arg13 : memref<640xf32, #tpu.memory_space<vmem>>)
      tpu.yield
    }) : () -> ()
    %mul3A_1 = arith.constant 640 : i32
    %mul3A_2 = arith.muli %arg1, %mul3A_1 : i32
    "tpu.region"() ({
      %run_scoped3A = tpu.sem_alloc : memref<!tpu.dma_semaphore, #tpu.memory_space<semaphore_mem>>
      %dma_start3A = tpu.memref_slice %arg14[%mul3A_2] : memref<10240xf32, #tpu.memory_space<vmem_shared>> -> memref<640xf32, #tpu.memory_space<vmem_shared>>
      %dma_start3A_93 = tpu.memref_slice %arg14[%mul3A_2] : memref<10240xf32, #tpu.memory_space<vmem_shared>> -> memref<640xf32, #tpu.memory_space<vmem_shared>>
      tpu.enqueue_dma source(%arg13 : memref<640xf32, #tpu.memory_space<vmem>>) target(%dma_start3A_93 : memref<640xf32, #tpu.memory_space<vmem_shared>>) target_semaphore(%run_scoped3A : memref<!tpu.dma_semaphore, #tpu.memory_space<semaphore_mem>>)
      %dma_wait3A = tpu.memref_slice %arg14[%mul3A_2] : memref<10240xf32, #tpu.memory_space<vmem_shared>> -> memref<640xf32, #tpu.memory_space<vmem_shared>>
      %dma_wait3A_94 = tpu.memref_slice %arg14[%mul3A_2] : memref<10240xf32, #tpu.memory_space<vmem_shared>> -> memref<640xf32, #tpu.memory_space<vmem_shared>>
      tpu.wait_dma2 semaphore(%run_scoped3A : memref<!tpu.dma_semaphore, #tpu.memory_space<semaphore_mem>>) src(%arg13 : memref<640xf32, #tpu.memory_space<vmem>>) dst(%dma_wait3A_94 : memref<640xf32, #tpu.memory_space<vmem_shared>>)
      tpu.yield
    }) : () -> ()
    %mul3A_3 = arith.constant 640 : i32
    %mul3A_4 = arith.muli %arg1, %mul3A_3 : i32
    "tpu.region"() ({
      %run_scoped3A = tpu.sem_alloc : memref<!tpu.dma_semaphore, #tpu.memory_space<semaphore_mem>>
      %dma_start3A = tpu.memref_slice %arg15[%mul3A_4] : memref<10240xf32, #tpu.memory_space<vmem_shared>> -> memref<640xf32, #tpu.memory_space<vmem_shared>>
      %dma_start3A_93 = tpu.memref_slice %arg15[%mul3A_4] : memref<10240xf32, #tpu.memory_space<vmem_shared>> -> memref<640xf32, #tpu.memory_space<vmem_shared>>
      tpu.enqueue_dma source(%arg13 : memref<640xf32, #tpu.memory_space<vmem>>) target(%dma_start3A_93 : memref<640xf32, #tpu.memory_space<vmem_shared>>) target_semaphore(%run_scoped3A : memref<!tpu.dma_semaphore, #tpu.memory_space<semaphore_mem>>)
      %dma_wait3A = tpu.memref_slice %arg15[%mul3A_4] : memref<10240xf32, #tpu.memory_space<vmem_shared>> -> memref<640xf32, #tpu.memory_space<vmem_shared>>
      %dma_wait3A_94 = tpu.memref_slice %arg15[%mul3A_4] : memref<10240xf32, #tpu.memory_space<vmem_shared>> -> memref<640xf32, #tpu.memory_space<vmem_shared>>
      tpu.wait_dma2 semaphore(%run_scoped3A : memref<!tpu.dma_semaphore, #tpu.memory_space<semaphore_mem>>) src(%arg13 : memref<640xf32, #tpu.memory_space<vmem>>) dst(%dma_wait3A_94 : memref<640xf32, #tpu.memory_space<vmem_shared>>)
      tpu.yield
    }) : () -> ()
    "tpu.region"() ({
      %run_scoped3A = tpu.sem_alloc : memref<!tpu.dma_semaphore, #tpu.memory_space<semaphore_mem>>
      tpu.enqueue_dma source(%arg4 : memref<128xf32, #tpu.memory_space<hbm>>) target(%arg12 : memref<128xf32, #tpu.memory_space<vmem>>) target_semaphore(%run_scoped3A : memref<!tpu.dma_semaphore, #tpu.memory_space<semaphore_mem>>)
      tpu.wait_dma2 semaphore(%run_scoped3A : memref<!tpu.dma_semaphore, #tpu.memory_space<semaphore_mem>>) src(%arg4 : memref<128xf32, #tpu.memory_space<hbm>>) dst(%arg12 : memref<128xf32, #tpu.memory_space<vmem>>)
      tpu.yield
    }) : () -> ()
    %barrier3A = arith.constant 0 : index
    tpu.barrier barrier_id(%barrier3A)
    %mul3A_5 = arith.constant 2500 : i32
    %mul3A_6 = arith.muli %add3A, %mul3A_5 : i32
    %jit3A = arith.constant 32 : i32
    %div3A = arith.divsi %mul3A_6, %jit3A : i32
    %sign3A = arith.constant 0 : i32
    %sign3A_7 = arith.cmpi sgt, %mul3A_6, %sign3A : i32
    %sign3A_8 = arith.extui %sign3A_7 : i1 to i32
    %sign3A_9 = arith.constant 0 : i32
    %sign3A_10 = arith.cmpi slt, %mul3A_6, %sign3A_9 : i32
    %sign3A_11 = arith.extui %sign3A_10 : i1 to i32
    %sign3A_12 = arith.subi %sign3A_8, %sign3A_11 : i32
    %sign3A_13 = arith.constant 0 : i32
    %sign3A_14 = arith.cmpi sgt, %jit3A, %sign3A_13 : i32
    %sign3A_15 = arith.extui %sign3A_14 : i1 to i32
    %sign3A_16 = arith.constant 0 : i32
    %sign3A_17 = arith.cmpi slt, %jit3A, %sign3A_16 : i32
    %sign3A_18 = arith.extui %sign3A_17 : i1 to i32
    %sign3A_19 = arith.subi %sign3A_15, %sign3A_18 : i32
    %ne3A = arith.cmpi ne, %sign3A_12, %sign3A_19 : i32
    %rem3A = arith.remsi %mul3A_6, %jit3A : i32
    %ne3A_20 = arith.constant 0 : i32
    %ne3A_21 = arith.cmpi ne, %rem3A, %ne3A_20 : i32
    %and3A = arith.andi %ne3A, %ne3A_21 : i1
    %sub3A = arith.constant 1 : i32
    %sub3A_22 = arith.subi %div3A, %sub3A : i32
    %select_n3A = arith.select %and3A, %sub3A_22, %div3A : i32
    %add3A_23 = arith.constant 1 : i32
    %add3A_24 = arith.addi %add3A, %add3A_23 : i32
    %mul3A_25 = arith.constant 2500 : i32
    %mul3A_26 = arith.muli %add3A_24, %mul3A_25 : i32
    %jit3A_27 = arith.constant 32 : i32
    %div3A_28 = arith.divsi %mul3A_26, %jit3A_27 : i32
    %sign3A_29 = arith.constant 0 : i32
    %sign3A_30 = arith.cmpi sgt, %mul3A_26, %sign3A_29 : i32
    %sign3A_31 = arith.extui %sign3A_30 : i1 to i32
    %sign3A_32 = arith.constant 0 : i32
    %sign3A_33 = arith.cmpi slt, %mul3A_26, %sign3A_32 : i32
    %sign3A_34 = arith.extui %sign3A_33 : i1 to i32
    %sign3A_35 = arith.subi %sign3A_31, %sign3A_34 : i32
    %sign3A_36 = arith.constant 0 : i32
    %sign3A_37 = arith.cmpi sgt, %jit3A_27, %sign3A_36 : i32
    %sign3A_38 = arith.extui %sign3A_37 : i1 to i32
    %sign3A_39 = arith.constant 0 : i32
    %sign3A_40 = arith.cmpi slt, %jit3A_27, %sign3A_39 : i32
    %sign3A_41 = arith.extui %sign3A_40 : i1 to i32
    %sign3A_42 = arith.subi %sign3A_38, %sign3A_41 : i32
    %ne3A_43 = arith.cmpi ne, %sign3A_35, %sign3A_42 : i32
    %rem3A_44 = arith.remsi %mul3A_26, %jit3A_27 : i32
    %ne3A_45 = arith.constant 0 : i32
    %ne3A_46 = arith.cmpi ne, %rem3A_44, %ne3A_45 : i32
    %and3A_47 = arith.andi %ne3A_43, %ne3A_46 : i1
    %sub3A_48 = arith.constant 1 : i32
    %sub3A_49 = arith.subi %div3A_28, %sub3A_48 : i32
    %select_n3A_50 = arith.select %and3A_47, %sub3A_49, %div3A_28 : i32
    %sub3A_51 = arith.subi %select_n3A_50, %select_n3A : i32
    %jit3A_52 = arith.constant 2 : i32
    %div3A_53 = arith.divsi %sub3A_51, %jit3A_52 : i32
    %sign3A_54 = arith.constant 0 : i32
    %sign3A_55 = arith.cmpi sgt, %sub3A_51, %sign3A_54 : i32
    %sign3A_56 = arith.extui %sign3A_55 : i1 to i32
    %sign3A_57 = arith.constant 0 : i32
    %sign3A_58 = arith.cmpi slt, %sub3A_51, %sign3A_57 : i32
    %sign3A_59 = arith.extui %sign3A_58 : i1 to i32
    %sign3A_60 = arith.subi %sign3A_56, %sign3A_59 : i32
    %sign3A_61 = arith.constant 0 : i32
    %sign3A_62 = arith.cmpi sgt, %jit3A_52, %sign3A_61 : i32
    %sign3A_63 = arith.extui %sign3A_62 : i1 to i32
    %sign3A_64 = arith.constant 0 : i32
    %sign3A_65 = arith.cmpi slt, %jit3A_52, %sign3A_64 : i32
    %sign3A_66 = arith.extui %sign3A_65 : i1 to i32
    %sign3A_67 = arith.subi %sign3A_63, %sign3A_66 : i32
    %ne3A_68 = arith.cmpi ne, %sign3A_60, %sign3A_67 : i32
    %rem3A_69 = arith.remsi %sub3A_51, %jit3A_52 : i32
    %ne3A_70 = arith.constant 0 : i32
    %ne3A_71 = arith.cmpi ne, %rem3A_69, %ne3A_70 : i32
    %and3A_72 = arith.andi %ne3A_68, %ne3A_71 : i1
    %sub3A_73 = arith.constant 1 : i32
    %sub3A_74 = arith.subi %div3A_53, %sub3A_73 : i32
    %select_n3A_75 = arith.select %and3A_72, %sub3A_74, %div3A_53 : i32
    %while3A = arith.constant 0 : i32
    %while3A_76 = arith.constant 0 : i32
    %while3A_77 = arith.subi %select_n3A_75, %while3A_76 : i32
    %while3A_78 = arith.addi %while3A_76, %while3A_77 : i32
    %while3A_79 = arith.constant 1 : i32
    %while3A_80 = arith.divsi %while3A_77, %while3A_79 : i32
    %while3A_81 = arith.muli %while3A_80, %while3A_79 : i32
    %while3A_82 = arith.addi %while3A_76, %while3A_81 : i32
    %while3A_83 = arith.constant 1 : i32
    scf.for %while3A_93 = %while3A_76 to %while3A_82 step %while3A_83  : i32 {
      %mul3A_94 = arith.constant 2 : i32
      %mul3A_95 = arith.muli %while3A_93, %mul3A_94 : i32
      %add3A_96 = arith.addi %select_n3A, %mul3A_95 : i32
      %add3A_97 = arith.constant 0 : i32
      %add3A_98 = arith.addi %add3A_96, %add3A_97 : i32
      %mul3A_99 = arith.constant 128 : i32
      %mul3A_100 = arith.muli %add3A_98, %mul3A_99 : i32
      %multiple_of3A = tpu.assume_multiple %mul3A_100, 8 : i32
      %dma_start3A = tpu.memref_slice %arg2[%multiple_of3A] : memref<320000xi32, #tpu.memory_space<hbm>> -> memref<128xi32, #tpu.memory_space<hbm>>
      %dma_start3A_101 = tpu.memref_slice %arg2[%multiple_of3A] : memref<320000xi32, #tpu.memory_space<hbm>> -> memref<128xi32, #tpu.memory_space<hbm>>
      tpu.enqueue_dma source(%dma_start3A_101 : memref<128xi32, #tpu.memory_space<hbm>>) target(%arg8 : memref<128xi32, #tpu.memory_space<vmem>>) target_semaphore(%arg16 : memref<!tpu.dma_semaphore, #tpu.memory_space<semaphore_mem>>)
      %dma_start3A_102 = tpu.memref_slice %arg3[%multiple_of3A] : memref<320000xi32, #tpu.memory_space<hbm>> -> memref<128xi32, #tpu.memory_space<hbm>>
      %dma_start3A_103 = tpu.memref_slice %arg3[%multiple_of3A] : memref<320000xi32, #tpu.memory_space<hbm>> -> memref<128xi32, #tpu.memory_space<hbm>>
      tpu.enqueue_dma source(%dma_start3A_103 : memref<128xi32, #tpu.memory_space<hbm>>) target(%arg9 : memref<128xi32, #tpu.memory_space<vmem>>) target_semaphore(%arg16 : memref<!tpu.dma_semaphore, #tpu.memory_space<semaphore_mem>>)
      %add3A_104 = arith.constant 1 : i32
      %add3A_105 = arith.addi %add3A_96, %add3A_104 : i32
      %mul3A_106 = arith.constant 128 : i32
      %mul3A_107 = arith.muli %add3A_105, %mul3A_106 : i32
      %multiple_of3A_108 = tpu.assume_multiple %mul3A_107, 8 : i32
      %dma_start3A_109 = tpu.memref_slice %arg2[%multiple_of3A_108] : memref<320000xi32, #tpu.memory_space<hbm>> -> memref<128xi32, #tpu.memory_space<hbm>>
      %dma_start3A_110 = tpu.memref_slice %arg2[%multiple_of3A_108] : memref<320000xi32, #tpu.memory_space<hbm>> -> memref<128xi32, #tpu.memory_space<hbm>>
      tpu.enqueue_dma source(%dma_start3A_110 : memref<128xi32, #tpu.memory_space<hbm>>) target(%arg10 : memref<128xi32, #tpu.memory_space<vmem>>) target_semaphore(%arg17 : memref<!tpu.dma_semaphore, #tpu.memory_space<semaphore_mem>>)
      %dma_start3A_111 = tpu.memref_slice %arg3[%multiple_of3A_108] : memref<320000xi32, #tpu.memory_space<hbm>> -> memref<128xi32, #tpu.memory_space<hbm>>
      %dma_start3A_112 = tpu.memref_slice %arg3[%multiple_of3A_108] : memref<320000xi32, #tpu.memory_space<hbm>> -> memref<128xi32, #tpu.memory_space<hbm>>
      tpu.enqueue_dma source(%dma_start3A_112 : memref<128xi32, #tpu.memory_space<hbm>>) target(%arg11 : memref<128xi32, #tpu.memory_space<vmem>>) target_semaphore(%arg17 : memref<!tpu.dma_semaphore, #tpu.memory_space<semaphore_mem>>)
      %dma_wait3A = tpu.memref_slice %arg2[%multiple_of3A] : memref<320000xi32, #tpu.memory_space<hbm>> -> memref<128xi32, #tpu.memory_space<hbm>>
      %dma_wait3A_113 = tpu.memref_slice %arg2[%multiple_of3A] : memref<320000xi32, #tpu.memory_space<hbm>> -> memref<128xi32, #tpu.memory_space<hbm>>
      tpu.wait_dma2 semaphore(%arg16 : memref<!tpu.dma_semaphore, #tpu.memory_space<semaphore_mem>>) src(%dma_wait3A_113 : memref<128xi32, #tpu.memory_space<hbm>>) dst(%arg8 : memref<128xi32, #tpu.memory_space<vmem>>)
      %dma_wait3A_114 = tpu.memref_slice %arg3[%multiple_of3A] : memref<320000xi32, #tpu.memory_space<hbm>> -> memref<128xi32, #tpu.memory_space<hbm>>
      %dma_wait3A_115 = tpu.memref_slice %arg3[%multiple_of3A] : memref<320000xi32, #tpu.memory_space<hbm>> -> memref<128xi32, #tpu.memory_space<hbm>>
      tpu.wait_dma2 semaphore(%arg16 : memref<!tpu.dma_semaphore, #tpu.memory_space<semaphore_mem>>) src(%dma_wait3A_115 : memref<128xi32, #tpu.memory_space<hbm>>) dst(%arg9 : memref<128xi32, #tpu.memory_space<vmem>>)
      "tpu.region"() ({
        %run_scoped3A = tpu.sem_alloc : memref<!tpu.dma_semaphore, #tpu.memory_space<semaphore_mem>>
        %dma_start3A_120 = arith.constant 0 : i32
        %dma_start3A_121 = tpu.memref_slice %arg14[%dma_start3A_120] : memref<10240xf32, #tpu.memory_space<vmem_shared>> -> memref<10240xf32, #tpu.memory_space<vmem_shared>>
        tpu.enqueue_indirect_dma source(%arg12 : memref<128xf32, #tpu.memory_space<vmem>>) target(%dma_start3A_121 : memref<10240xf32, #tpu.memory_space<vmem_shared>>) offsets(%arg8 : memref<128xi32, #tpu.memory_space<vmem>>) semaphore(%run_scoped3A : memref<!tpu.dma_semaphore, #tpu.memory_space<semaphore_mem>>) {add = true}
        %dma_wait3A_122 = arith.constant 0 : i32
        %dma_wait3A_123 = tpu.memref_slice %arg14[%dma_wait3A_122] : memref<10240xf32, #tpu.memory_space<vmem_shared>> -> memref<10240xf32, #tpu.memory_space<vmem_shared>>
        tpu.wait_indirect_dma semaphore(%run_scoped3A : memref<!tpu.dma_semaphore, #tpu.memory_space<semaphore_mem>>) src(%arg12 : memref<128xf32, #tpu.memory_space<vmem>>) dst(%dma_wait3A_123 : memref<10240xf32, #tpu.memory_space<vmem_shared>>)
        tpu.yield
      }) : () -> ()
      "tpu.region"() ({
        %run_scoped3A = tpu.sem_alloc : memref<!tpu.dma_semaphore, #tpu.memory_space<semaphore_mem>>
        %dma_start3A_120 = arith.constant 0 : i32
        %dma_start3A_121 = tpu.memref_slice %arg15[%dma_start3A_120] : memref<10240xf32, #tpu.memory_space<vmem_shared>> -> memref<10240xf32, #tpu.memory_space<vmem_shared>>
        tpu.enqueue_indirect_dma source(%arg12 : memref<128xf32, #tpu.memory_space<vmem>>) target(%dma_start3A_121 : memref<10240xf32, #tpu.memory_space<vmem_shared>>) offsets(%arg9 : memref<128xi32, #tpu.memory_space<vmem>>) semaphore(%run_scoped3A : memref<!tpu.dma_semaphore, #tpu.memory_space<semaphore_mem>>) {add = true}
        %dma_wait3A_122 = arith.constant 0 : i32
        %dma_wait3A_123 = tpu.memref_slice %arg15[%dma_wait3A_122] : memref<10240xf32, #tpu.memory_space<vmem_shared>> -> memref<10240xf32, #tpu.memory_space<vmem_shared>>
        tpu.wait_indirect_dma semaphore(%run_scoped3A : memref<!tpu.dma_semaphore, #tpu.memory_space<semaphore_mem>>) src(%arg12 : memref<128xf32, #tpu.memory_space<vmem>>) dst(%dma_wait3A_123 : memref<10240xf32, #tpu.memory_space<vmem_shared>>)
        tpu.yield
      }) : () -> ()
      %dma_wait3A_116 = tpu.memref_slice %arg2[%multiple_of3A_108] : memref<320000xi32, #tpu.memory_space<hbm>> -> memref<128xi32, #tpu.memory_space<hbm>>
      %dma_wait3A_117 = tpu.memref_slice %arg2[%multiple_of3A_108] : memref<320000xi32, #tpu.memory_space<hbm>> -> memref<128xi32, #tpu.memory_space<hbm>>
      tpu.wait_dma2 semaphore(%arg17 : memref<!tpu.dma_semaphore, #tpu.memory_space<semaphore_mem>>) src(%dma_wait3A_117 : memref<128xi32, #tpu.memory_space<hbm>>) dst(%arg10 : memref<128xi32, #tpu.memory_space<vmem>>)
      %dma_wait3A_118 = tpu.memref_slice %arg3[%multiple_of3A_108] : memref<320000xi32, #tpu.memory_space<hbm>> -> memref<128xi32, #tpu.memory_space<hbm>>
      %dma_wait3A_119 = tpu.memref_slice %arg3[%multiple_of3A_108] : memref<320000xi32, #tpu.memory_space<hbm>> -> memref<128xi32, #tpu.memory_space<hbm>>
      tpu.wait_dma2 semaphore(%arg17 : memref<!tpu.dma_semaphore, #tpu.memory_space<semaphore_mem>>) src(%dma_wait3A_119 : memref<128xi32, #tpu.memory_space<hbm>>) dst(%arg11 : memref<128xi32, #tpu.memory_space<vmem>>)
      "tpu.region"() ({
        %run_scoped3A = tpu.sem_alloc : memref<!tpu.dma_semaphore, #tpu.memory_space<semaphore_mem>>
        %dma_start3A_120 = arith.constant 0 : i32
        %dma_start3A_121 = tpu.memref_slice %arg14[%dma_start3A_120] : memref<10240xf32, #tpu.memory_space<vmem_shared>> -> memref<10240xf32, #tpu.memory_space<vmem_shared>>
        tpu.enqueue_indirect_dma source(%arg12 : memref<128xf32, #tpu.memory_space<vmem>>) target(%dma_start3A_121 : memref<10240xf32, #tpu.memory_space<vmem_shared>>) offsets(%arg10 : memref<128xi32, #tpu.memory_space<vmem>>) semaphore(%run_scoped3A : memref<!tpu.dma_semaphore, #tpu.memory_space<semaphore_mem>>) {add = true}
        %dma_wait3A_122 = arith.constant 0 : i32
        %dma_wait3A_123 = tpu.memref_slice %arg14[%dma_wait3A_122] : memref<10240xf32, #tpu.memory_space<vmem_shared>> -> memref<10240xf32, #tpu.memory_space<vmem_shared>>
        tpu.wait_indirect_dma semaphore(%run_scoped3A : memref<!tpu.dma_semaphore, #tpu.memory_space<semaphore_mem>>) src(%arg12 : memref<128xf32, #tpu.memory_space<vmem>>) dst(%dma_wait3A_123 : memref<10240xf32, #tpu.memory_space<vmem_shared>>)
        tpu.yield
      }) : () -> ()
      "tpu.region"() ({
        %run_scoped3A = tpu.sem_alloc : memref<!tpu.dma_semaphore, #tpu.memory_space<semaphore_mem>>
        %dma_start3A_120 = arith.constant 0 : i32
        %dma_start3A_121 = tpu.memref_slice %arg15[%dma_start3A_120] : memref<10240xf32, #tpu.memory_space<vmem_shared>> -> memref<10240xf32, #tpu.memory_space<vmem_shared>>
        tpu.enqueue_indirect_dma source(%arg12 : memref<128xf32, #tpu.memory_space<vmem>>) target(%dma_start3A_121 : memref<10240xf32, #tpu.memory_space<vmem_shared>>) offsets(%arg11 : memref<128xi32, #tpu.memory_space<vmem>>) semaphore(%run_scoped3A : memref<!tpu.dma_semaphore, #tpu.memory_space<semaphore_mem>>) {add = true}
        %dma_wait3A_122 = arith.constant 0 : i32
        %dma_wait3A_123 = tpu.memref_slice %arg15[%dma_wait3A_122] : memref<10240xf32, #tpu.memory_space<vmem_shared>> -> memref<10240xf32, #tpu.memory_space<vmem_shared>>
        tpu.wait_indirect_dma semaphore(%run_scoped3A : memref<!tpu.dma_semaphore, #tpu.memory_space<semaphore_mem>>) src(%arg12 : memref<128xf32, #tpu.memory_space<vmem>>) dst(%dma_wait3A_123 : memref<10240xf32, #tpu.memory_space<vmem_shared>>)
        tpu.yield
      }) : () -> ()
    }
    %while3A_84 = arith.constant 1 : i32
    scf.for %while3A_93 = %while3A_82 to %while3A_78 step %while3A_84  : i32 {
      %mul3A_94 = arith.constant 2 : i32
      %mul3A_95 = arith.muli %while3A_93, %mul3A_94 : i32
      %add3A_96 = arith.addi %select_n3A, %mul3A_95 : i32
      %add3A_97 = arith.constant 0 : i32
      %add3A_98 = arith.addi %add3A_96, %add3A_97 : i32
      %mul3A_99 = arith.constant 128 : i32
      %mul3A_100 = arith.muli %add3A_98, %mul3A_99 : i32
      %multiple_of3A = tpu.assume_multiple %mul3A_100, 8 : i32
      %dma_start3A = tpu.memref_slice %arg2[%multiple_of3A] : memref<320000xi32, #tpu.memory_space<hbm>> -> memref<128xi32, #tpu.memory_space<hbm>>
      %dma_start3A_101 = tpu.memref_slice %arg2[%multiple_of3A] : memref<320000xi32, #tpu.memory_space<hbm>> -> memref<128xi32, #tpu.memory_space<hbm>>
      tpu.enqueue_dma source(%dma_start3A_101 : memref<128xi32, #tpu.memory_space<hbm>>) target(%arg8 : memref<128xi32, #tpu.memory_space<vmem>>) target_semaphore(%arg16 : memref<!tpu.dma_semaphore, #tpu.memory_space<semaphore_mem>>)
      %dma_start3A_102 = tpu.memref_slice %arg3[%multiple_of3A] : memref<320000xi32, #tpu.memory_space<hbm>> -> memref<128xi32, #tpu.memory_space<hbm>>
      %dma_start3A_103 = tpu.memref_slice %arg3[%multiple_of3A] : memref<320000xi32, #tpu.memory_space<hbm>> -> memref<128xi32, #tpu.memory_space<hbm>>
      tpu.enqueue_dma source(%dma_start3A_103 : memref<128xi32, #tpu.memory_space<hbm>>) target(%arg9 : memref<128xi32, #tpu.memory_space<vmem>>) target_semaphore(%arg16 : memref<!tpu.dma_semaphore, #tpu.memory_space<semaphore_mem>>)
      %add3A_104 = arith.constant 1 : i32
      %add3A_105 = arith.addi %add3A_96, %add3A_104 : i32
      %mul3A_106 = arith.constant 128 : i32
      %mul3A_107 = arith.muli %add3A_105, %mul3A_106 : i32
      %multiple_of3A_108 = tpu.assume_multiple %mul3A_107, 8 : i32
      %dma_start3A_109 = tpu.memref_slice %arg2[%multiple_of3A_108] : memref<320000xi32, #tpu.memory_space<hbm>> -> memref<128xi32, #tpu.memory_space<hbm>>
      %dma_start3A_110 = tpu.memref_slice %arg2[%multiple_of3A_108] : memref<320000xi32, #tpu.memory_space<hbm>> -> memref<128xi32, #tpu.memory_space<hbm>>
      tpu.enqueue_dma source(%dma_start3A_110 : memref<128xi32, #tpu.memory_space<hbm>>) target(%arg10 : memref<128xi32, #tpu.memory_space<vmem>>) target_semaphore(%arg17 : memref<!tpu.dma_semaphore, #tpu.memory_space<semaphore_mem>>)
      %dma_start3A_111 = tpu.memref_slice %arg3[%multiple_of3A_108] : memref<320000xi32, #tpu.memory_space<hbm>> -> memref<128xi32, #tpu.memory_space<hbm>>
      %dma_start3A_112 = tpu.memref_slice %arg3[%multiple_of3A_108] : memref<320000xi32, #tpu.memory_space<hbm>> -> memref<128xi32, #tpu.memory_space<hbm>>
      tpu.enqueue_dma source(%dma_start3A_112 : memref<128xi32, #tpu.memory_space<hbm>>) target(%arg11 : memref<128xi32, #tpu.memory_space<vmem>>) target_semaphore(%arg17 : memref<!tpu.dma_semaphore, #tpu.memory_space<semaphore_mem>>)
      %dma_wait3A = tpu.memref_slice %arg2[%multiple_of3A] : memref<320000xi32, #tpu.memory_space<hbm>> -> memref<128xi32, #tpu.memory_space<hbm>>
      %dma_wait3A_113 = tpu.memref_slice %arg2[%multiple_of3A] : memref<320000xi32, #tpu.memory_space<hbm>> -> memref<128xi32, #tpu.memory_space<hbm>>
      tpu.wait_dma2 semaphore(%arg16 : memref<!tpu.dma_semaphore, #tpu.memory_space<semaphore_mem>>) src(%dma_wait3A_113 : memref<128xi32, #tpu.memory_space<hbm>>) dst(%arg8 : memref<128xi32, #tpu.memory_space<vmem>>)
      %dma_wait3A_114 = tpu.memref_slice %arg3[%multiple_of3A] : memref<320000xi32, #tpu.memory_space<hbm>> -> memref<128xi32, #tpu.memory_space<hbm>>
      %dma_wait3A_115 = tpu.memref_slice %arg3[%multiple_of3A] : memref<320000xi32, #tpu.memory_space<hbm>> -> memref<128xi32, #tpu.memory_space<hbm>>
      tpu.wait_dma2 semaphore(%arg16 : memref<!tpu.dma_semaphore, #tpu.memory_space<semaphore_mem>>) src(%dma_wait3A_115 : memref<128xi32, #tpu.memory_space<hbm>>) dst(%arg9 : memref<128xi32, #tpu.memory_space<vmem>>)
      "tpu.region"() ({
        %run_scoped3A = tpu.sem_alloc : memref<!tpu.dma_semaphore, #tpu.memory_space<semaphore_mem>>
        %dma_start3A_120 = arith.constant 0 : i32
        %dma_start3A_121 = tpu.memref_slice %arg14[%dma_start3A_120] : memref<10240xf32, #tpu.memory_space<vmem_shared>> -> memref<10240xf32, #tpu.memory_space<vmem_shared>>
        tpu.enqueue_indirect_dma source(%arg12 : memref<128xf32, #tpu.memory_space<vmem>>) target(%dma_start3A_121 : memref<10240xf32, #tpu.memory_space<vmem_shared>>) offsets(%arg8 : memref<128xi32, #tpu.memory_space<vmem>>) semaphore(%run_scoped3A : memref<!tpu.dma_semaphore, #tpu.memory_space<semaphore_mem>>) {add = true}
        %dma_wait3A_122 = arith.constant 0 : i32
        %dma_wait3A_123 = tpu.memref_slice %arg14[%dma_wait3A_122] : memref<10240xf32, #tpu.memory_space<vmem_shared>> -> memref<10240xf32, #tpu.memory_space<vmem_shared>>
        tpu.wait_indirect_dma semaphore(%run_scoped3A : memref<!tpu.dma_semaphore, #tpu.memory_space<semaphore_mem>>) src(%arg12 : memref<128xf32, #tpu.memory_space<vmem>>) dst(%dma_wait3A_123 : memref<10240xf32, #tpu.memory_space<vmem_shared>>)
        tpu.yield
      }) : () -> ()
      "tpu.region"() ({
        %run_scoped3A = tpu.sem_alloc : memref<!tpu.dma_semaphore, #tpu.memory_space<semaphore_mem>>
        %dma_start3A_120 = arith.constant 0 : i32
        %dma_start3A_121 = tpu.memref_slice %arg15[%dma_start3A_120] : memref<10240xf32, #tpu.memory_space<vmem_shared>> -> memref<10240xf32, #tpu.memory_space<vmem_shared>>
        tpu.enqueue_indirect_dma source(%arg12 : memref<128xf32, #tpu.memory_space<vmem>>) target(%dma_start3A_121 : memref<10240xf32, #tpu.memory_space<vmem_shared>>) offsets(%arg9 : memref<128xi32, #tpu.memory_space<vmem>>) semaphore(%run_scoped3A : memref<!tpu.dma_semaphore, #tpu.memory_space<semaphore_mem>>) {add = true}
        %dma_wait3A_122 = arith.constant 0 : i32
        %dma_wait3A_123 = tpu.memref_slice %arg15[%dma_wait3A_122] : memref<10240xf32, #tpu.memory_space<vmem_shared>> -> memref<10240xf32, #tpu.memory_space<vmem_shared>>
        tpu.wait_indirect_dma semaphore(%run_scoped3A : memref<!tpu.dma_semaphore, #tpu.memory_space<semaphore_mem>>) src(%arg12 : memref<128xf32, #tpu.memory_space<vmem>>) dst(%dma_wait3A_123 : memref<10240xf32, #tpu.memory_space<vmem_shared>>)
        tpu.yield
      }) : () -> ()
      %dma_wait3A_116 = tpu.memref_slice %arg2[%multiple_of3A_108] : memref<320000xi32, #tpu.memory_space<hbm>> -> memref<128xi32, #tpu.memory_space<hbm>>
      %dma_wait3A_117 = tpu.memref_slice %arg2[%multiple_of3A_108] : memref<320000xi32, #tpu.memory_space<hbm>> -> memref<128xi32, #tpu.memory_space<hbm>>
      tpu.wait_dma2 semaphore(%arg17 : memref<!tpu.dma_semaphore, #tpu.memory_space<semaphore_mem>>) src(%dma_wait3A_117 : memref<128xi32, #tpu.memory_space<hbm>>) dst(%arg10 : memref<128xi32, #tpu.memory_space<vmem>>)
      %dma_wait3A_118 = tpu.memref_slice %arg3[%multiple_of3A_108] : memref<320000xi32, #tpu.memory_space<hbm>> -> memref<128xi32, #tpu.memory_space<hbm>>
      %dma_wait3A_119 = tpu.memref_slice %arg3[%multiple_of3A_108] : memref<320000xi32, #tpu.memory_space<hbm>> -> memref<128xi32, #tpu.memory_space<hbm>>
      tpu.wait_dma2 semaphore(%arg17 : memref<!tpu.dma_semaphore, #tpu.memory_space<semaphore_mem>>) src(%dma_wait3A_119 : memref<128xi32, #tpu.memory_space<hbm>>) dst(%arg11 : memref<128xi32, #tpu.memory_space<vmem>>)
      "tpu.region"() ({
        %run_scoped3A = tpu.sem_alloc : memref<!tpu.dma_semaphore, #tpu.memory_space<semaphore_mem>>
        %dma_start3A_120 = arith.constant 0 : i32
        %dma_start3A_121 = tpu.memref_slice %arg14[%dma_start3A_120] : memref<10240xf32, #tpu.memory_space<vmem_shared>> -> memref<10240xf32, #tpu.memory_space<vmem_shared>>
        tpu.enqueue_indirect_dma source(%arg12 : memref<128xf32, #tpu.memory_space<vmem>>) target(%dma_start3A_121 : memref<10240xf32, #tpu.memory_space<vmem_shared>>) offsets(%arg10 : memref<128xi32, #tpu.memory_space<vmem>>) semaphore(%run_scoped3A : memref<!tpu.dma_semaphore, #tpu.memory_space<semaphore_mem>>) {add = true}
        %dma_wait3A_122 = arith.constant 0 : i32
        %dma_wait3A_123 = tpu.memref_slice %arg14[%dma_wait3A_122] : memref<10240xf32, #tpu.memory_space<vmem_shared>> -> memref<10240xf32, #tpu.memory_space<vmem_shared>>
        tpu.wait_indirect_dma semaphore(%run_scoped3A : memref<!tpu.dma_semaphore, #tpu.memory_space<semaphore_mem>>) src(%arg12 : memref<128xf32, #tpu.memory_space<vmem>>) dst(%dma_wait3A_123 : memref<10240xf32, #tpu.memory_space<vmem_shared>>)
        tpu.yield
      }) : () -> ()
      "tpu.region"() ({
        %run_scoped3A = tpu.sem_alloc : memref<!tpu.dma_semaphore, #tpu.memory_space<semaphore_mem>>
        %dma_start3A_120 = arith.constant 0 : i32
        %dma_start3A_121 = tpu.memref_slice %arg15[%dma_start3A_120] : memref<10240xf32, #tpu.memory_space<vmem_shared>> -> memref<10240xf32, #tpu.memory_space<vmem_shared>>
        tpu.enqueue_indirect_dma source(%arg12 : memref<128xf32, #tpu.memory_space<vmem>>) target(%dma_start3A_121 : memref<10240xf32, #tpu.memory_space<vmem_shared>>) offsets(%arg11 : memref<128xi32, #tpu.memory_space<vmem>>) semaphore(%run_scoped3A : memref<!tpu.dma_semaphore, #tpu.memory_space<semaphore_mem>>) {add = true}
        %dma_wait3A_122 = arith.constant 0 : i32
        %dma_wait3A_123 = tpu.memref_slice %arg15[%dma_wait3A_122] : memref<10240xf32, #tpu.memory_space<vmem_shared>> -> memref<10240xf32, #tpu.memory_space<vmem_shared>>
        tpu.wait_indirect_dma semaphore(%run_scoped3A : memref<!tpu.dma_semaphore, #tpu.memory_space<semaphore_mem>>) src(%arg12 : memref<128xf32, #tpu.memory_space<vmem>>) dst(%dma_wait3A_123 : memref<10240xf32, #tpu.memory_space<vmem_shared>>)
        tpu.yield
      }) : () -> ()
    }
    %mul3A_85 = arith.constant 2 : i32
    %mul3A_86 = arith.muli %select_n3A_75, %mul3A_85 : i32
    %sub3A_87 = arith.subi %sub3A_51, %mul3A_86 : i32
    %gt3A = arith.constant 0 : i32
    %gt3A_88 = arith.cmpi sgt, %sub3A_87, %gt3A : i32
    %convert_element_type3A = arith.extui %gt3A_88 : i1 to i32
    %cond3A = arith.constant 0 : i32
    %cond3A_89 = arith.cmpi ne, %convert_element_type3A, %cond3A : i32
    scf.if %cond3A_89 {
      %mul3A_93 = arith.constant 2 : i32
      %mul3A_94 = arith.muli %select_n3A_75, %mul3A_93 : i32
      %add3A_95 = arith.addi %select_n3A, %mul3A_94 : i32
      %mul3A_96 = arith.constant 128 : i32
      %mul3A_97 = arith.muli %add3A_95, %mul3A_96 : i32
      %multiple_of3A = tpu.assume_multiple %mul3A_97, 8 : i32
      "tpu.region"() ({
        %run_scoped3A = tpu.sem_alloc : memref<!tpu.dma_semaphore, #tpu.memory_space<semaphore_mem>>
        %dma_start3A = tpu.memref_slice %arg2[%multiple_of3A] : memref<320000xi32, #tpu.memory_space<hbm>> -> memref<128xi32, #tpu.memory_space<hbm>>
        %dma_start3A_98 = tpu.memref_slice %arg2[%multiple_of3A] : memref<320000xi32, #tpu.memory_space<hbm>> -> memref<128xi32, #tpu.memory_space<hbm>>
        tpu.enqueue_dma source(%dma_start3A_98 : memref<128xi32, #tpu.memory_space<hbm>>) target(%arg8 : memref<128xi32, #tpu.memory_space<vmem>>) target_semaphore(%run_scoped3A : memref<!tpu.dma_semaphore, #tpu.memory_space<semaphore_mem>>)
        %dma_wait3A = tpu.memref_slice %arg2[%multiple_of3A] : memref<320000xi32, #tpu.memory_space<hbm>> -> memref<128xi32, #tpu.memory_space<hbm>>
        %dma_wait3A_99 = tpu.memref_slice %arg2[%multiple_of3A] : memref<320000xi32, #tpu.memory_space<hbm>> -> memref<128xi32, #tpu.memory_space<hbm>>
        tpu.wait_dma2 semaphore(%run_scoped3A : memref<!tpu.dma_semaphore, #tpu.memory_space<semaphore_mem>>) src(%dma_wait3A_99 : memref<128xi32, #tpu.memory_space<hbm>>) dst(%arg8 : memref<128xi32, #tpu.memory_space<vmem>>)
        tpu.yield
      }) : () -> ()
      "tpu.region"() ({
        %run_scoped3A = tpu.sem_alloc : memref<!tpu.dma_semaphore, #tpu.memory_space<semaphore_mem>>
        %dma_start3A = arith.constant 0 : i32
        %dma_start3A_98 = tpu.memref_slice %arg14[%dma_start3A] : memref<10240xf32, #tpu.memory_space<vmem_shared>> -> memref<10240xf32, #tpu.memory_space<vmem_shared>>
        tpu.enqueue_indirect_dma source(%arg12 : memref<128xf32, #tpu.memory_space<vmem>>) target(%dma_start3A_98 : memref<10240xf32, #tpu.memory_space<vmem_shared>>) offsets(%arg8 : memref<128xi32, #tpu.memory_space<vmem>>) semaphore(%run_scoped3A : memref<!tpu.dma_semaphore, #tpu.memory_space<semaphore_mem>>) {add = true}
        %dma_wait3A = arith.constant 0 : i32
        %dma_wait3A_99 = tpu.memref_slice %arg14[%dma_wait3A] : memref<10240xf32, #tpu.memory_space<vmem_shared>> -> memref<10240xf32, #tpu.memory_space<vmem_shared>>
        tpu.wait_indirect_dma semaphore(%run_scoped3A : memref<!tpu.dma_semaphore, #tpu.memory_space<semaphore_mem>>) src(%arg12 : memref<128xf32, #tpu.memory_space<vmem>>) dst(%dma_wait3A_99 : memref<10240xf32, #tpu.memory_space<vmem_shared>>)
        tpu.yield
      }) : () -> ()
      "tpu.region"() ({
        %run_scoped3A = tpu.sem_alloc : memref<!tpu.dma_semaphore, #tpu.memory_space<semaphore_mem>>
        %dma_start3A = tpu.memref_slice %arg3[%multiple_of3A] : memref<320000xi32, #tpu.memory_space<hbm>> -> memref<128xi32, #tpu.memory_space<hbm>>
        %dma_start3A_98 = tpu.memref_slice %arg3[%multiple_of3A] : memref<320000xi32, #tpu.memory_space<hbm>> -> memref<128xi32, #tpu.memory_space<hbm>>
        tpu.enqueue_dma source(%dma_start3A_98 : memref<128xi32, #tpu.memory_space<hbm>>) target(%arg9 : memref<128xi32, #tpu.memory_space<vmem>>) target_semaphore(%run_scoped3A : memref<!tpu.dma_semaphore, #tpu.memory_space<semaphore_mem>>)
        %dma_wait3A = tpu.memref_slice %arg3[%multiple_of3A] : memref<320000xi32, #tpu.memory_space<hbm>> -> memref<128xi32, #tpu.memory_space<hbm>>
        %dma_wait3A_99 = tpu.memref_slice %arg3[%multiple_of3A] : memref<320000xi32, #tpu.memory_space<hbm>> -> memref<128xi32, #tpu.memory_space<hbm>>
        tpu.wait_dma2 semaphore(%run_scoped3A : memref<!tpu.dma_semaphore, #tpu.memory_space<semaphore_mem>>) src(%dma_wait3A_99 : memref<128xi32, #tpu.memory_space<hbm>>) dst(%arg9 : memref<128xi32, #tpu.memory_space<vmem>>)
        tpu.yield
      }) : () -> ()
      "tpu.region"() ({
        %run_scoped3A = tpu.sem_alloc : memref<!tpu.dma_semaphore, #tpu.memory_space<semaphore_mem>>
        %dma_start3A = arith.constant 0 : i32
        %dma_start3A_98 = tpu.memref_slice %arg15[%dma_start3A] : memref<10240xf32, #tpu.memory_space<vmem_shared>> -> memref<10240xf32, #tpu.memory_space<vmem_shared>>
        tpu.enqueue_indirect_dma source(%arg12 : memref<128xf32, #tpu.memory_space<vmem>>) target(%dma_start3A_98 : memref<10240xf32, #tpu.memory_space<vmem_shared>>) offsets(%arg9 : memref<128xi32, #tpu.memory_space<vmem>>) semaphore(%run_scoped3A : memref<!tpu.dma_semaphore, #tpu.memory_space<semaphore_mem>>) {add = true}
        %dma_wait3A = arith.constant 0 : i32
        %dma_wait3A_99 = tpu.memref_slice %arg15[%dma_wait3A] : memref<10240xf32, #tpu.memory_space<vmem_shared>> -> memref<10240xf32, #tpu.memory_space<vmem_shared>>
        tpu.wait_indirect_dma semaphore(%run_scoped3A : memref<!tpu.dma_semaphore, #tpu.memory_space<semaphore_mem>>) src(%arg12 : memref<128xf32, #tpu.memory_space<vmem>>) dst(%dma_wait3A_99 : memref<10240xf32, #tpu.memory_space<vmem_shared>>)
        tpu.yield
      }) : () -> ()
    } else {
    }
    %barrier3A_90 = arith.constant 0 : index
    tpu.barrier barrier_id(%barrier3A_90)
    %mul3A_91 = arith.constant 640 : i32
    %mul3A_92 = arith.muli %arg1, %mul3A_91 : i32
    "tpu.region"() ({
      %run_scoped3A = tpu.sem_alloc : memref<!tpu.dma_semaphore, #tpu.memory_space<semaphore_mem>>
      %dma_start3A = tpu.memref_slice %arg6[%arg0, %mul3A_92] : memref<2x10240xf32, #tpu.memory_space<hbm>> -> memref<1x640xf32, #tpu.memory_space<hbm>>
      %dma_start3A_93 = tpu.memref_squeeze %dma_start3A : memref<1x640xf32, #tpu.memory_space<hbm>> -> memref<640xf32, #tpu.memory_space<hbm>>
      %dma_start3A_94 = tpu.memref_slice %arg14[%mul3A_92] : memref<10240xf32, #tpu.memory_space<vmem_shared>> -> memref<640xf32, #tpu.memory_space<vmem_shared>>
      tpu.enqueue_dma source(%dma_start3A_94 : memref<640xf32, #tpu.memory_space<vmem_shared>>) target(%dma_start3A_93 : memref<640xf32, #tpu.memory_space<hbm>>) target_semaphore(%run_scoped3A : memref<!tpu.dma_semaphore, #tpu.memory_space<semaphore_mem>>)
      %dma_wait3A = tpu.memref_slice %arg6[%arg0, %mul3A_92] : memref<2x10240xf32, #tpu.memory_space<hbm>> -> memref<1x640xf32, #tpu.memory_space<hbm>>
      %dma_wait3A_95 = tpu.memref_squeeze %dma_wait3A : memref<1x640xf32, #tpu.memory_space<hbm>> -> memref<640xf32, #tpu.memory_space<hbm>>
      %dma_wait3A_96 = tpu.memref_slice %arg14[%mul3A_92] : memref<10240xf32, #tpu.memory_space<vmem_shared>> -> memref<640xf32, #tpu.memory_space<vmem_shared>>
      tpu.wait_dma2 semaphore(%run_scoped3A : memref<!tpu.dma_semaphore, #tpu.memory_space<semaphore_mem>>) src(%dma_wait3A_96 : memref<640xf32, #tpu.memory_space<vmem_shared>>) dst(%dma_wait3A_95 : memref<640xf32, #tpu.memory_space<hbm>>)
      tpu.yield
    }) : () -> ()
    "tpu.region"() ({
      %run_scoped3A = tpu.sem_alloc : memref<!tpu.dma_semaphore, #tpu.memory_space<semaphore_mem>>
      %dma_start3A = tpu.memref_slice %arg7[%arg0, %mul3A_92] : memref<2x10240xf32, #tpu.memory_space<hbm>> -> memref<1x640xf32, #tpu.memory_space<hbm>>
      %dma_start3A_93 = tpu.memref_squeeze %dma_start3A : memref<1x640xf32, #tpu.memory_space<hbm>> -> memref<640xf32, #tpu.memory_space<hbm>>
      %dma_start3A_94 = tpu.memref_slice %arg15[%mul3A_92] : memref<10240xf32, #tpu.memory_space<vmem_shared>> -> memref<640xf32, #tpu.memory_space<vmem_shared>>
      tpu.enqueue_dma source(%dma_start3A_94 : memref<640xf32, #tpu.memory_space<vmem_shared>>) target(%dma_start3A_93 : memref<640xf32, #tpu.memory_space<hbm>>) target_semaphore(%run_scoped3A : memref<!tpu.dma_semaphore, #tpu.memory_space<semaphore_mem>>)
      %dma_wait3A = tpu.memref_slice %arg7[%arg0, %mul3A_92] : memref<2x10240xf32, #tpu.memory_space<hbm>> -> memref<1x640xf32, #tpu.memory_space<hbm>>
      %dma_wait3A_95 = tpu.memref_squeeze %dma_wait3A : memref<1x640xf32, #tpu.memory_space<hbm>> -> memref<640xf32, #tpu.memory_space<hbm>>
      %dma_wait3A_96 = tpu.memref_slice %arg15[%mul3A_92] : memref<10240xf32, #tpu.memory_space<vmem_shared>> -> memref<640xf32, #tpu.memory_space<vmem_shared>>
      tpu.wait_dma2 semaphore(%run_scoped3A : memref<!tpu.dma_semaphore, #tpu.memory_space<semaphore_mem>>) src(%dma_wait3A_96 : memref<640xf32, #tpu.memory_space<vmem_shared>>) dst(%dma_wait3A_95 : memref<640xf32, #tpu.memory_space<hbm>>)
      tpu.yield
    }) : () -> ()
    return
  }
}

#map = affine_map<(d0, d1) -> (0, 0)>
#map1 = affine_map<(d0, d1) -> (0)>
#map2 = affine_map<(d0, d1) -> (0, 0, 0)>
module attributes {stable_mosaic.version = 14 : i64} {
  func.func @_spmm_kernel(%arg0: i32, %arg1: i32, %arg2: memref<10240x128xf32, #tpu.memory_space<hbm>>, %arg3: memref<10240xf32, #tpu.memory_space<hbm>>, %arg4: memref<320000xi32, #tpu.memory_space<hbm>>, %arg5: memref<320000xi32, #tpu.memory_space<hbm>>, %arg6: memref<128x128xf32, #tpu.memory_space<hbm>>, %arg7: memref<640xf32, #tpu.memory_space<hbm>>, %arg8: memref<2x10240x128xf32, #tpu.memory_space<hbm>>, %arg9: memref<2x10240xf32, #tpu.memory_space<hbm>>, %arg10: memref<80xi32, #tpu.memory_space<vmem>>, %arg11: memref<80xi32, #tpu.memory_space<vmem>>, %arg12: memref<80xi32, #tpu.memory_space<vmem>>, %arg13: memref<80xi32, #tpu.memory_space<vmem>>, %arg14: memref<80x128xf32, #tpu.memory_space<vmem>>, %arg15: memref<80x128xf32, #tpu.memory_space<vmem>>, %arg16: memref<80xf32, #tpu.memory_space<vmem>>, %arg17: memref<80xf32, #tpu.memory_space<vmem>>, %arg18: memref<128x128xf32, #tpu.memory_space<vmem>>, %arg19: memref<640xf32, #tpu.memory_space<vmem>>, %arg20: memref<10240x128xf32, #tpu.memory_space<vmem_shared>>, %arg21: memref<10240xf32, #tpu.memory_space<vmem_shared>>, %arg22: memref<!tpu.dma_semaphore, #tpu.memory_space<semaphore_mem>>, %arg23: memref<!tpu.dma_semaphore, #tpu.memory_space<semaphore_mem>>, %arg24: memref<!tpu.dma_semaphore, #tpu.memory_space<semaphore_mem>>, %arg25: memref<!tpu.dma_semaphore, #tpu.memory_space<semaphore_mem>>, %arg26: memref<!tpu.dma_semaphore, #tpu.memory_space<semaphore_mem>>, %arg27: memref<!tpu.dma_semaphore, #tpu.memory_space<semaphore_mem>>) attributes {dimension_semantics = [#tpu.dimension_semantics<core_parallel>, #tpu.dimension_semantics<subcore_parallel>], iteration_bounds = array<i64: 2, 16>, scalar_prefetch = 0 : i64, scratch_operands = 18 : i64, tpu.core_type = #tpu.core_type<sc_vector_subcore>, window_params = [{transform_indices = #map}, {transform_indices = #map1}, {transform_indices = #map1}, {transform_indices = #map1}, {transform_indices = #map}, {transform_indices = #map1}, {transform_indices = #map2}, {transform_indices = #map}]} {
    %mul3A = arith.constant 16 : i32
    %mul3A_0 = arith.muli %arg0, %mul3A : i32
    %add3A = arith.addi %mul3A_0, %arg1 : i32
    "tpu.region"() ({
      %run_scoped3A = tpu.sem_alloc : memref<!tpu.dma_semaphore, #tpu.memory_space<semaphore_mem>>
      tpu.enqueue_dma source(%arg6 : memref<128x128xf32, #tpu.memory_space<hbm>>) target(%arg18 : memref<128x128xf32, #tpu.memory_space<vmem>>) target_semaphore(%run_scoped3A : memref<!tpu.dma_semaphore, #tpu.memory_space<semaphore_mem>>)
      tpu.wait_dma2 semaphore(%run_scoped3A : memref<!tpu.dma_semaphore, #tpu.memory_space<semaphore_mem>>) src(%arg6 : memref<128x128xf32, #tpu.memory_space<hbm>>) dst(%arg18 : memref<128x128xf32, #tpu.memory_space<vmem>>)
      tpu.yield
    }) : () -> ()
    %mul3A_1 = arith.constant 640 : i32
    %mul3A_2 = arith.muli %arg1, %mul3A_1 : i32
    %add3A_3 = arith.constant 0 : i32
    %add3A_4 = arith.addi %mul3A_2, %add3A_3 : i32
    "tpu.region"() ({
      %run_scoped3A = tpu.sem_alloc : memref<!tpu.dma_semaphore, #tpu.memory_space<semaphore_mem>>
      %dma_start3A_73 = arith.constant 0 : i32
      %dma_start3A_74 = tpu.memref_slice %arg20[%add3A_4, %dma_start3A_73] : memref<10240x128xf32, #tpu.memory_space<vmem_shared>> -> memref<128x128xf32, #tpu.memory_space<vmem_shared>>
      %dma_start3A_75 = arith.constant 0 : i32
      %dma_start3A_76 = tpu.memref_slice %arg20[%add3A_4, %dma_start3A_75] : memref<10240x128xf32, #tpu.memory_space<vmem_shared>> -> memref<128x128xf32, #tpu.memory_space<vmem_shared>>
      tpu.enqueue_dma source(%arg18 : memref<128x128xf32, #tpu.memory_space<vmem>>) target(%dma_start3A_76 : memref<128x128xf32, #tpu.memory_space<vmem_shared>>) target_semaphore(%run_scoped3A : memref<!tpu.dma_semaphore, #tpu.memory_space<semaphore_mem>>)
      %dma_wait3A_77 = arith.constant 0 : i32
      %dma_wait3A_78 = tpu.memref_slice %arg20[%add3A_4, %dma_wait3A_77] : memref<10240x128xf32, #tpu.memory_space<vmem_shared>> -> memref<128x128xf32, #tpu.memory_space<vmem_shared>>
      %dma_wait3A_79 = arith.constant 0 : i32
      %dma_wait3A_80 = tpu.memref_slice %arg20[%add3A_4, %dma_wait3A_79] : memref<10240x128xf32, #tpu.memory_space<vmem_shared>> -> memref<128x128xf32, #tpu.memory_space<vmem_shared>>
      tpu.wait_dma2 semaphore(%run_scoped3A : memref<!tpu.dma_semaphore, #tpu.memory_space<semaphore_mem>>) src(%arg18 : memref<128x128xf32, #tpu.memory_space<vmem>>) dst(%dma_wait3A_80 : memref<128x128xf32, #tpu.memory_space<vmem_shared>>)
      tpu.yield
    }) : () -> ()
    %mul3A_5 = arith.constant 640 : i32
    %mul3A_6 = arith.muli %arg1, %mul3A_5 : i32
    %add3A_7 = arith.constant 128 : i32
    %add3A_8 = arith.addi %mul3A_6, %add3A_7 : i32
    "tpu.region"() ({
      %run_scoped3A = tpu.sem_alloc : memref<!tpu.dma_semaphore, #tpu.memory_space<semaphore_mem>>
      %dma_start3A_73 = arith.constant 0 : i32
      %dma_start3A_74 = tpu.memref_slice %arg20[%add3A_8, %dma_start3A_73] : memref<10240x128xf32, #tpu.memory_space<vmem_shared>> -> memref<128x128xf32, #tpu.memory_space<vmem_shared>>
      %dma_start3A_75 = arith.constant 0 : i32
      %dma_start3A_76 = tpu.memref_slice %arg20[%add3A_8, %dma_start3A_75] : memref<10240x128xf32, #tpu.memory_space<vmem_shared>> -> memref<128x128xf32, #tpu.memory_space<vmem_shared>>
      tpu.enqueue_dma source(%arg18 : memref<128x128xf32, #tpu.memory_space<vmem>>) target(%dma_start3A_76 : memref<128x128xf32, #tpu.memory_space<vmem_shared>>) target_semaphore(%run_scoped3A : memref<!tpu.dma_semaphore, #tpu.memory_space<semaphore_mem>>)
      %dma_wait3A_77 = arith.constant 0 : i32
      %dma_wait3A_78 = tpu.memref_slice %arg20[%add3A_8, %dma_wait3A_77] : memref<10240x128xf32, #tpu.memory_space<vmem_shared>> -> memref<128x128xf32, #tpu.memory_space<vmem_shared>>
      %dma_wait3A_79 = arith.constant 0 : i32
      %dma_wait3A_80 = tpu.memref_slice %arg20[%add3A_8, %dma_wait3A_79] : memref<10240x128xf32, #tpu.memory_space<vmem_shared>> -> memref<128x128xf32, #tpu.memory_space<vmem_shared>>
      tpu.wait_dma2 semaphore(%run_scoped3A : memref<!tpu.dma_semaphore, #tpu.memory_space<semaphore_mem>>) src(%arg18 : memref<128x128xf32, #tpu.memory_space<vmem>>) dst(%dma_wait3A_80 : memref<128x128xf32, #tpu.memory_space<vmem_shared>>)
      tpu.yield
    }) : () -> ()
    %mul3A_9 = arith.constant 640 : i32
    %mul3A_10 = arith.muli %arg1, %mul3A_9 : i32
    %add3A_11 = arith.constant 256 : i32
    %add3A_12 = arith.addi %mul3A_10, %add3A_11 : i32
    "tpu.region"() ({
      %run_scoped3A = tpu.sem_alloc : memref<!tpu.dma_semaphore, #tpu.memory_space<semaphore_mem>>
      %dma_start3A_73 = arith.constant 0 : i32
      %dma_start3A_74 = tpu.memref_slice %arg20[%add3A_12, %dma_start3A_73] : memref<10240x128xf32, #tpu.memory_space<vmem_shared>> -> memref<128x128xf32, #tpu.memory_space<vmem_shared>>
      %dma_start3A_75 = arith.constant 0 : i32
      %dma_start3A_76 = tpu.memref_slice %arg20[%add3A_12, %dma_start3A_75] : memref<10240x128xf32, #tpu.memory_space<vmem_shared>> -> memref<128x128xf32, #tpu.memory_space<vmem_shared>>
      tpu.enqueue_dma source(%arg18 : memref<128x128xf32, #tpu.memory_space<vmem>>) target(%dma_start3A_76 : memref<128x128xf32, #tpu.memory_space<vmem_shared>>) target_semaphore(%run_scoped3A : memref<!tpu.dma_semaphore, #tpu.memory_space<semaphore_mem>>)
      %dma_wait3A_77 = arith.constant 0 : i32
      %dma_wait3A_78 = tpu.memref_slice %arg20[%add3A_12, %dma_wait3A_77] : memref<10240x128xf32, #tpu.memory_space<vmem_shared>> -> memref<128x128xf32, #tpu.memory_space<vmem_shared>>
      %dma_wait3A_79 = arith.constant 0 : i32
      %dma_wait3A_80 = tpu.memref_slice %arg20[%add3A_12, %dma_wait3A_79] : memref<10240x128xf32, #tpu.memory_space<vmem_shared>> -> memref<128x128xf32, #tpu.memory_space<vmem_shared>>
      tpu.wait_dma2 semaphore(%run_scoped3A : memref<!tpu.dma_semaphore, #tpu.memory_space<semaphore_mem>>) src(%arg18 : memref<128x128xf32, #tpu.memory_space<vmem>>) dst(%dma_wait3A_80 : memref<128x128xf32, #tpu.memory_space<vmem_shared>>)
      tpu.yield
    }) : () -> ()
    %mul3A_13 = arith.constant 640 : i32
    %mul3A_14 = arith.muli %arg1, %mul3A_13 : i32
    %add3A_15 = arith.constant 384 : i32
    %add3A_16 = arith.addi %mul3A_14, %add3A_15 : i32
    "tpu.region"() ({
      %run_scoped3A = tpu.sem_alloc : memref<!tpu.dma_semaphore, #tpu.memory_space<semaphore_mem>>
      %dma_start3A_73 = arith.constant 0 : i32
      %dma_start3A_74 = tpu.memref_slice %arg20[%add3A_16, %dma_start3A_73] : memref<10240x128xf32, #tpu.memory_space<vmem_shared>> -> memref<128x128xf32, #tpu.memory_space<vmem_shared>>
      %dma_start3A_75 = arith.constant 0 : i32
      %dma_start3A_76 = tpu.memref_slice %arg20[%add3A_16, %dma_start3A_75] : memref<10240x128xf32, #tpu.memory_space<vmem_shared>> -> memref<128x128xf32, #tpu.memory_space<vmem_shared>>
      tpu.enqueue_dma source(%arg18 : memref<128x128xf32, #tpu.memory_space<vmem>>) target(%dma_start3A_76 : memref<128x128xf32, #tpu.memory_space<vmem_shared>>) target_semaphore(%run_scoped3A : memref<!tpu.dma_semaphore, #tpu.memory_space<semaphore_mem>>)
      %dma_wait3A_77 = arith.constant 0 : i32
      %dma_wait3A_78 = tpu.memref_slice %arg20[%add3A_16, %dma_wait3A_77] : memref<10240x128xf32, #tpu.memory_space<vmem_shared>> -> memref<128x128xf32, #tpu.memory_space<vmem_shared>>
      %dma_wait3A_79 = arith.constant 0 : i32
      %dma_wait3A_80 = tpu.memref_slice %arg20[%add3A_16, %dma_wait3A_79] : memref<10240x128xf32, #tpu.memory_space<vmem_shared>> -> memref<128x128xf32, #tpu.memory_space<vmem_shared>>
      tpu.wait_dma2 semaphore(%run_scoped3A : memref<!tpu.dma_semaphore, #tpu.memory_space<semaphore_mem>>) src(%arg18 : memref<128x128xf32, #tpu.memory_space<vmem>>) dst(%dma_wait3A_80 : memref<128x128xf32, #tpu.memory_space<vmem_shared>>)
      tpu.yield
    }) : () -> ()
    %mul3A_17 = arith.constant 640 : i32
    %mul3A_18 = arith.muli %arg1, %mul3A_17 : i32
    %add3A_19 = arith.constant 512 : i32
    %add3A_20 = arith.addi %mul3A_18, %add3A_19 : i32
    "tpu.region"() ({
      %run_scoped3A = tpu.sem_alloc : memref<!tpu.dma_semaphore, #tpu.memory_space<semaphore_mem>>
      %dma_start3A_73 = arith.constant 0 : i32
      %dma_start3A_74 = tpu.memref_slice %arg20[%add3A_20, %dma_start3A_73] : memref<10240x128xf32, #tpu.memory_space<vmem_shared>> -> memref<128x128xf32, #tpu.memory_space<vmem_shared>>
      %dma_start3A_75 = arith.constant 0 : i32
      %dma_start3A_76 = tpu.memref_slice %arg20[%add3A_20, %dma_start3A_75] : memref<10240x128xf32, #tpu.memory_space<vmem_shared>> -> memref<128x128xf32, #tpu.memory_space<vmem_shared>>
      tpu.enqueue_dma source(%arg18 : memref<128x128xf32, #tpu.memory_space<vmem>>) target(%dma_start3A_76 : memref<128x128xf32, #tpu.memory_space<vmem_shared>>) target_semaphore(%run_scoped3A : memref<!tpu.dma_semaphore, #tpu.memory_space<semaphore_mem>>)
      %dma_wait3A_77 = arith.constant 0 : i32
      %dma_wait3A_78 = tpu.memref_slice %arg20[%add3A_20, %dma_wait3A_77] : memref<10240x128xf32, #tpu.memory_space<vmem_shared>> -> memref<128x128xf32, #tpu.memory_space<vmem_shared>>
      %dma_wait3A_79 = arith.constant 0 : i32
      %dma_wait3A_80 = tpu.memref_slice %arg20[%add3A_20, %dma_wait3A_79] : memref<10240x128xf32, #tpu.memory_space<vmem_shared>> -> memref<128x128xf32, #tpu.memory_space<vmem_shared>>
      tpu.wait_dma2 semaphore(%run_scoped3A : memref<!tpu.dma_semaphore, #tpu.memory_space<semaphore_mem>>) src(%arg18 : memref<128x128xf32, #tpu.memory_space<vmem>>) dst(%dma_wait3A_80 : memref<128x128xf32, #tpu.memory_space<vmem_shared>>)
      tpu.yield
    }) : () -> ()
    "tpu.region"() ({
      %run_scoped3A = tpu.sem_alloc : memref<!tpu.dma_semaphore, #tpu.memory_space<semaphore_mem>>
      tpu.enqueue_dma source(%arg7 : memref<640xf32, #tpu.memory_space<hbm>>) target(%arg19 : memref<640xf32, #tpu.memory_space<vmem>>) target_semaphore(%run_scoped3A : memref<!tpu.dma_semaphore, #tpu.memory_space<semaphore_mem>>)
      tpu.wait_dma2 semaphore(%run_scoped3A : memref<!tpu.dma_semaphore, #tpu.memory_space<semaphore_mem>>) src(%arg7 : memref<640xf32, #tpu.memory_space<hbm>>) dst(%arg19 : memref<640xf32, #tpu.memory_space<vmem>>)
      tpu.yield
    }) : () -> ()
    %mul3A_21 = arith.constant 640 : i32
    %mul3A_22 = arith.muli %arg1, %mul3A_21 : i32
    "tpu.region"() ({
      %run_scoped3A = tpu.sem_alloc : memref<!tpu.dma_semaphore, #tpu.memory_space<semaphore_mem>>
      %dma_start3A_73 = tpu.memref_slice %arg21[%mul3A_22] : memref<10240xf32, #tpu.memory_space<vmem_shared>> -> memref<640xf32, #tpu.memory_space<vmem_shared>>
      %dma_start3A_74 = tpu.memref_slice %arg21[%mul3A_22] : memref<10240xf32, #tpu.memory_space<vmem_shared>> -> memref<640xf32, #tpu.memory_space<vmem_shared>>
      tpu.enqueue_dma source(%arg19 : memref<640xf32, #tpu.memory_space<vmem>>) target(%dma_start3A_74 : memref<640xf32, #tpu.memory_space<vmem_shared>>) target_semaphore(%run_scoped3A : memref<!tpu.dma_semaphore, #tpu.memory_space<semaphore_mem>>)
      %dma_wait3A_75 = tpu.memref_slice %arg21[%mul3A_22] : memref<10240xf32, #tpu.memory_space<vmem_shared>> -> memref<640xf32, #tpu.memory_space<vmem_shared>>
      %dma_wait3A_76 = tpu.memref_slice %arg21[%mul3A_22] : memref<10240xf32, #tpu.memory_space<vmem_shared>> -> memref<640xf32, #tpu.memory_space<vmem_shared>>
      tpu.wait_dma2 semaphore(%run_scoped3A : memref<!tpu.dma_semaphore, #tpu.memory_space<semaphore_mem>>) src(%arg19 : memref<640xf32, #tpu.memory_space<vmem>>) dst(%dma_wait3A_76 : memref<640xf32, #tpu.memory_space<vmem_shared>>)
      tpu.yield
    }) : () -> ()
    %barrier3A = arith.constant 0 : index
    tpu.barrier barrier_id(%barrier3A)
    %mul3A_23 = arith.constant 125 : i32
    %mul3A_24 = arith.muli %add3A, %mul3A_23 : i32
    %scan3A = arith.constant 0 : i32
    %scan3A_25 = arith.constant 0 : i32
    %scan3A_26 = arith.constant 62 : i32
    %scan3A_27 = arith.addi %scan3A_25, %scan3A_26 : i32
    %scan3A_28 = arith.constant 1 : i32
    scf.for %scan3A_73 = %scan3A_25 to %scan3A_27 step %scan3A_28  : i32 {
      %gt3A = arith.constant 0 : i32
      %gt3A_74 = arith.cmpi sgt, %scan3A_73, %gt3A : i32
      %convert_element_type3A = arith.extui %gt3A_74 : i1 to i32
      %cond3A = arith.constant 0 : i32
      %cond3A_75 = arith.cmpi ne, %convert_element_type3A, %cond3A : i32
      scf.if %cond3A_75 {
        %dma_wait3A_135 = arith.constant 0 : i32
        %dma_wait3A_136 = arith.constant 0 : i32
        %dma_wait3A_137 = tpu.memref_slice %arg20[%dma_wait3A_135, %dma_wait3A_136] : memref<10240x128xf32, #tpu.memory_space<vmem_shared>> -> memref<10240x128xf32, #tpu.memory_space<vmem_shared>>
        tpu.wait_indirect_dma semaphore(%arg26 : memref<!tpu.dma_semaphore, #tpu.memory_space<semaphore_mem>>) src(%arg14 : memref<80x128xf32, #tpu.memory_space<vmem>>) dst(%dma_wait3A_137 : memref<10240x128xf32, #tpu.memory_space<vmem_shared>>)
        %dma_wait3A_138 = arith.constant 0 : i32
        %dma_wait3A_139 = tpu.memref_slice %arg21[%dma_wait3A_138] : memref<10240xf32, #tpu.memory_space<vmem_shared>> -> memref<10240xf32, #tpu.memory_space<vmem_shared>>
        tpu.wait_indirect_dma semaphore(%arg26 : memref<!tpu.dma_semaphore, #tpu.memory_space<semaphore_mem>>) src(%arg16 : memref<80xf32, #tpu.memory_space<vmem>>) dst(%dma_wait3A_139 : memref<10240xf32, #tpu.memory_space<vmem_shared>>)
        %dma_wait3A_140 = arith.constant 0 : i32
        %dma_wait3A_141 = arith.constant 0 : i32
        %dma_wait3A_142 = tpu.memref_slice %arg20[%dma_wait3A_140, %dma_wait3A_141] : memref<10240x128xf32, #tpu.memory_space<vmem_shared>> -> memref<10240x128xf32, #tpu.memory_space<vmem_shared>>
        tpu.wait_indirect_dma semaphore(%arg27 : memref<!tpu.dma_semaphore, #tpu.memory_space<semaphore_mem>>) src(%arg15 : memref<80x128xf32, #tpu.memory_space<vmem>>) dst(%dma_wait3A_142 : memref<10240x128xf32, #tpu.memory_space<vmem_shared>>)
        %dma_wait3A_143 = arith.constant 0 : i32
        %dma_wait3A_144 = tpu.memref_slice %arg21[%dma_wait3A_143] : memref<10240xf32, #tpu.memory_space<vmem_shared>> -> memref<10240xf32, #tpu.memory_space<vmem_shared>>
        tpu.wait_indirect_dma semaphore(%arg27 : memref<!tpu.dma_semaphore, #tpu.memory_space<semaphore_mem>>) src(%arg17 : memref<80xf32, #tpu.memory_space<vmem>>) dst(%dma_wait3A_144 : memref<10240xf32, #tpu.memory_space<vmem_shared>>)
      } else {
      }
      %mul3A_76 = arith.constant 2 : i32
      %mul3A_77 = arith.muli %scan3A_73, %mul3A_76 : i32
      %add3A_78 = arith.addi %mul3A_24, %mul3A_77 : i32
      %add3A_79 = arith.constant 0 : i32
      %add3A_80 = arith.addi %add3A_78, %add3A_79 : i32
      %mul3A_81 = arith.constant 80 : i32
      %mul3A_82 = arith.muli %add3A_80, %mul3A_81 : i32
      %multiple_of3A_83 = tpu.assume_multiple %mul3A_82, 8 : i32
      %dma_start3A_84 = tpu.memref_slice %arg4[%multiple_of3A_83] : memref<320000xi32, #tpu.memory_space<hbm>> -> memref<80xi32, #tpu.memory_space<hbm>>
      %dma_start3A_85 = tpu.memref_slice %arg4[%multiple_of3A_83] : memref<320000xi32, #tpu.memory_space<hbm>> -> memref<80xi32, #tpu.memory_space<hbm>>
      tpu.enqueue_dma source(%dma_start3A_85 : memref<80xi32, #tpu.memory_space<hbm>>) target(%arg10 : memref<80xi32, #tpu.memory_space<vmem>>) target_semaphore(%arg22 : memref<!tpu.dma_semaphore, #tpu.memory_space<semaphore_mem>>)
      %dma_start3A_86 = tpu.memref_slice %arg5[%multiple_of3A_83] : memref<320000xi32, #tpu.memory_space<hbm>> -> memref<80xi32, #tpu.memory_space<hbm>>
      %dma_start3A_87 = tpu.memref_slice %arg5[%multiple_of3A_83] : memref<320000xi32, #tpu.memory_space<hbm>> -> memref<80xi32, #tpu.memory_space<hbm>>
      tpu.enqueue_dma source(%dma_start3A_87 : memref<80xi32, #tpu.memory_space<hbm>>) target(%arg11 : memref<80xi32, #tpu.memory_space<vmem>>) target_semaphore(%arg22 : memref<!tpu.dma_semaphore, #tpu.memory_space<semaphore_mem>>)
      %add3A_88 = arith.constant 1 : i32
      %add3A_89 = arith.addi %add3A_78, %add3A_88 : i32
      %mul3A_90 = arith.constant 80 : i32
      %mul3A_91 = arith.muli %add3A_89, %mul3A_90 : i32
      %multiple_of3A_92 = tpu.assume_multiple %mul3A_91, 8 : i32
      %dma_start3A_93 = tpu.memref_slice %arg4[%multiple_of3A_92] : memref<320000xi32, #tpu.memory_space<hbm>> -> memref<80xi32, #tpu.memory_space<hbm>>
      %dma_start3A_94 = tpu.memref_slice %arg4[%multiple_of3A_92] : memref<320000xi32, #tpu.memory_space<hbm>> -> memref<80xi32, #tpu.memory_space<hbm>>
      tpu.enqueue_dma source(%dma_start3A_94 : memref<80xi32, #tpu.memory_space<hbm>>) target(%arg12 : memref<80xi32, #tpu.memory_space<vmem>>) target_semaphore(%arg23 : memref<!tpu.dma_semaphore, #tpu.memory_space<semaphore_mem>>)
      %dma_start3A_95 = tpu.memref_slice %arg5[%multiple_of3A_92] : memref<320000xi32, #tpu.memory_space<hbm>> -> memref<80xi32, #tpu.memory_space<hbm>>
      %dma_start3A_96 = tpu.memref_slice %arg5[%multiple_of3A_92] : memref<320000xi32, #tpu.memory_space<hbm>> -> memref<80xi32, #tpu.memory_space<hbm>>
      tpu.enqueue_dma source(%dma_start3A_96 : memref<80xi32, #tpu.memory_space<hbm>>) target(%arg13 : memref<80xi32, #tpu.memory_space<vmem>>) target_semaphore(%arg23 : memref<!tpu.dma_semaphore, #tpu.memory_space<semaphore_mem>>)
      %dma_wait3A_97 = tpu.memref_slice %arg4[%multiple_of3A_83] : memref<320000xi32, #tpu.memory_space<hbm>> -> memref<80xi32, #tpu.memory_space<hbm>>
      %dma_wait3A_98 = tpu.memref_slice %arg4[%multiple_of3A_83] : memref<320000xi32, #tpu.memory_space<hbm>> -> memref<80xi32, #tpu.memory_space<hbm>>
      tpu.wait_dma2 semaphore(%arg22 : memref<!tpu.dma_semaphore, #tpu.memory_space<semaphore_mem>>) src(%dma_wait3A_98 : memref<80xi32, #tpu.memory_space<hbm>>) dst(%arg10 : memref<80xi32, #tpu.memory_space<vmem>>)
      %dma_wait3A_99 = tpu.memref_slice %arg5[%multiple_of3A_83] : memref<320000xi32, #tpu.memory_space<hbm>> -> memref<80xi32, #tpu.memory_space<hbm>>
      %dma_wait3A_100 = tpu.memref_slice %arg5[%multiple_of3A_83] : memref<320000xi32, #tpu.memory_space<hbm>> -> memref<80xi32, #tpu.memory_space<hbm>>
      tpu.wait_dma2 semaphore(%arg22 : memref<!tpu.dma_semaphore, #tpu.memory_space<semaphore_mem>>) src(%dma_wait3A_100 : memref<80xi32, #tpu.memory_space<hbm>>) dst(%arg11 : memref<80xi32, #tpu.memory_space<vmem>>)
      %dma_start3A_101 = arith.constant 0 : i32
      %dma_start3A_102 = arith.constant 0 : i32
      %dma_start3A_103 = tpu.memref_slice %arg2[%dma_start3A_101, %dma_start3A_102] : memref<10240x128xf32, #tpu.memory_space<hbm>> -> memref<10240x128xf32, #tpu.memory_space<hbm>>
      tpu.enqueue_indirect_dma source(%dma_start3A_103 : memref<10240x128xf32, #tpu.memory_space<hbm>>) target(%arg14 : memref<80x128xf32, #tpu.memory_space<vmem>>) offsets(%arg10 : memref<80xi32, #tpu.memory_space<vmem>>) semaphore(%arg24 : memref<!tpu.dma_semaphore, #tpu.memory_space<semaphore_mem>>)
      %dma_start3A_104 = arith.constant 0 : i32
      %dma_start3A_105 = tpu.memref_slice %arg3[%dma_start3A_104] : memref<10240xf32, #tpu.memory_space<hbm>> -> memref<10240xf32, #tpu.memory_space<hbm>>
      tpu.enqueue_indirect_dma source(%dma_start3A_105 : memref<10240xf32, #tpu.memory_space<hbm>>) target(%arg16 : memref<80xf32, #tpu.memory_space<vmem>>) offsets(%arg11 : memref<80xi32, #tpu.memory_space<vmem>>) semaphore(%arg24 : memref<!tpu.dma_semaphore, #tpu.memory_space<semaphore_mem>>)
      %dma_wait3A_106 = tpu.memref_slice %arg4[%multiple_of3A_92] : memref<320000xi32, #tpu.memory_space<hbm>> -> memref<80xi32, #tpu.memory_space<hbm>>
      %dma_wait3A_107 = tpu.memref_slice %arg4[%multiple_of3A_92] : memref<320000xi32, #tpu.memory_space<hbm>> -> memref<80xi32, #tpu.memory_space<hbm>>
      tpu.wait_dma2 semaphore(%arg23 : memref<!tpu.dma_semaphore, #tpu.memory_space<semaphore_mem>>) src(%dma_wait3A_107 : memref<80xi32, #tpu.memory_space<hbm>>) dst(%arg12 : memref<80xi32, #tpu.memory_space<vmem>>)
      %dma_wait3A_108 = tpu.memref_slice %arg5[%multiple_of3A_92] : memref<320000xi32, #tpu.memory_space<hbm>> -> memref<80xi32, #tpu.memory_space<hbm>>
      %dma_wait3A_109 = tpu.memref_slice %arg5[%multiple_of3A_92] : memref<320000xi32, #tpu.memory_space<hbm>> -> memref<80xi32, #tpu.memory_space<hbm>>
      tpu.wait_dma2 semaphore(%arg23 : memref<!tpu.dma_semaphore, #tpu.memory_space<semaphore_mem>>) src(%dma_wait3A_109 : memref<80xi32, #tpu.memory_space<hbm>>) dst(%arg13 : memref<80xi32, #tpu.memory_space<vmem>>)
      %dma_start3A_110 = arith.constant 0 : i32
      %dma_start3A_111 = arith.constant 0 : i32
      %dma_start3A_112 = tpu.memref_slice %arg2[%dma_start3A_110, %dma_start3A_111] : memref<10240x128xf32, #tpu.memory_space<hbm>> -> memref<10240x128xf32, #tpu.memory_space<hbm>>
      tpu.enqueue_indirect_dma source(%dma_start3A_112 : memref<10240x128xf32, #tpu.memory_space<hbm>>) target(%arg15 : memref<80x128xf32, #tpu.memory_space<vmem>>) offsets(%arg12 : memref<80xi32, #tpu.memory_space<vmem>>) semaphore(%arg25 : memref<!tpu.dma_semaphore, #tpu.memory_space<semaphore_mem>>)
      %dma_start3A_113 = arith.constant 0 : i32
      %dma_start3A_114 = tpu.memref_slice %arg3[%dma_start3A_113] : memref<10240xf32, #tpu.memory_space<hbm>> -> memref<10240xf32, #tpu.memory_space<hbm>>
      tpu.enqueue_indirect_dma source(%dma_start3A_114 : memref<10240xf32, #tpu.memory_space<hbm>>) target(%arg17 : memref<80xf32, #tpu.memory_space<vmem>>) offsets(%arg13 : memref<80xi32, #tpu.memory_space<vmem>>) semaphore(%arg25 : memref<!tpu.dma_semaphore, #tpu.memory_space<semaphore_mem>>)
      %dma_wait3A_115 = arith.constant 0 : i32
      %dma_wait3A_116 = arith.constant 0 : i32
      %dma_wait3A_117 = tpu.memref_slice %arg2[%dma_wait3A_115, %dma_wait3A_116] : memref<10240x128xf32, #tpu.memory_space<hbm>> -> memref<10240x128xf32, #tpu.memory_space<hbm>>
      tpu.wait_indirect_dma semaphore(%arg24 : memref<!tpu.dma_semaphore, #tpu.memory_space<semaphore_mem>>) src(%dma_wait3A_117 : memref<10240x128xf32, #tpu.memory_space<hbm>>) dst(%arg14 : memref<80x128xf32, #tpu.memory_space<vmem>>)
      %dma_wait3A_118 = arith.constant 0 : i32
      %dma_wait3A_119 = tpu.memref_slice %arg3[%dma_wait3A_118] : memref<10240xf32, #tpu.memory_space<hbm>> -> memref<10240xf32, #tpu.memory_space<hbm>>
      tpu.wait_indirect_dma semaphore(%arg24 : memref<!tpu.dma_semaphore, #tpu.memory_space<semaphore_mem>>) src(%dma_wait3A_119 : memref<10240xf32, #tpu.memory_space<hbm>>) dst(%arg16 : memref<80xf32, #tpu.memory_space<vmem>>)
      %dma_start3A_120 = arith.constant 0 : i32
      %dma_start3A_121 = arith.constant 0 : i32
      %dma_start3A_122 = tpu.memref_slice %arg20[%dma_start3A_120, %dma_start3A_121] : memref<10240x128xf32, #tpu.memory_space<vmem_shared>> -> memref<10240x128xf32, #tpu.memory_space<vmem_shared>>
      tpu.enqueue_indirect_dma source(%arg14 : memref<80x128xf32, #tpu.memory_space<vmem>>) target(%dma_start3A_122 : memref<10240x128xf32, #tpu.memory_space<vmem_shared>>) offsets(%arg11 : memref<80xi32, #tpu.memory_space<vmem>>) semaphore(%arg26 : memref<!tpu.dma_semaphore, #tpu.memory_space<semaphore_mem>>) {add = true}
      %dma_start3A_123 = arith.constant 0 : i32
      %dma_start3A_124 = tpu.memref_slice %arg21[%dma_start3A_123] : memref<10240xf32, #tpu.memory_space<vmem_shared>> -> memref<10240xf32, #tpu.memory_space<vmem_shared>>
      tpu.enqueue_indirect_dma source(%arg16 : memref<80xf32, #tpu.memory_space<vmem>>) target(%dma_start3A_124 : memref<10240xf32, #tpu.memory_space<vmem_shared>>) offsets(%arg10 : memref<80xi32, #tpu.memory_space<vmem>>) semaphore(%arg26 : memref<!tpu.dma_semaphore, #tpu.memory_space<semaphore_mem>>) {add = true}
      %dma_wait3A_125 = arith.constant 0 : i32
      %dma_wait3A_126 = arith.constant 0 : i32
      %dma_wait3A_127 = tpu.memref_slice %arg2[%dma_wait3A_125, %dma_wait3A_126] : memref<10240x128xf32, #tpu.memory_space<hbm>> -> memref<10240x128xf32, #tpu.memory_space<hbm>>
      tpu.wait_indirect_dma semaphore(%arg25 : memref<!tpu.dma_semaphore, #tpu.memory_space<semaphore_mem>>) src(%dma_wait3A_127 : memref<10240x128xf32, #tpu.memory_space<hbm>>) dst(%arg15 : memref<80x128xf32, #tpu.memory_space<vmem>>)
      %dma_wait3A_128 = arith.constant 0 : i32
      %dma_wait3A_129 = tpu.memref_slice %arg3[%dma_wait3A_128] : memref<10240xf32, #tpu.memory_space<hbm>> -> memref<10240xf32, #tpu.memory_space<hbm>>
      tpu.wait_indirect_dma semaphore(%arg25 : memref<!tpu.dma_semaphore, #tpu.memory_space<semaphore_mem>>) src(%dma_wait3A_129 : memref<10240xf32, #tpu.memory_space<hbm>>) dst(%arg17 : memref<80xf32, #tpu.memory_space<vmem>>)
      %dma_start3A_130 = arith.constant 0 : i32
      %dma_start3A_131 = arith.constant 0 : i32
      %dma_start3A_132 = tpu.memref_slice %arg20[%dma_start3A_130, %dma_start3A_131] : memref<10240x128xf32, #tpu.memory_space<vmem_shared>> -> memref<10240x128xf32, #tpu.memory_space<vmem_shared>>
      tpu.enqueue_indirect_dma source(%arg15 : memref<80x128xf32, #tpu.memory_space<vmem>>) target(%dma_start3A_132 : memref<10240x128xf32, #tpu.memory_space<vmem_shared>>) offsets(%arg13 : memref<80xi32, #tpu.memory_space<vmem>>) semaphore(%arg27 : memref<!tpu.dma_semaphore, #tpu.memory_space<semaphore_mem>>) {add = true}
      %dma_start3A_133 = arith.constant 0 : i32
      %dma_start3A_134 = tpu.memref_slice %arg21[%dma_start3A_133] : memref<10240xf32, #tpu.memory_space<vmem_shared>> -> memref<10240xf32, #tpu.memory_space<vmem_shared>>
      tpu.enqueue_indirect_dma source(%arg17 : memref<80xf32, #tpu.memory_space<vmem>>) target(%dma_start3A_134 : memref<10240xf32, #tpu.memory_space<vmem_shared>>) offsets(%arg12 : memref<80xi32, #tpu.memory_space<vmem>>) semaphore(%arg27 : memref<!tpu.dma_semaphore, #tpu.memory_space<semaphore_mem>>) {add = true}
    }
    %scan3A_29 = arith.constant 62 : i32
    %dma_wait3A = arith.constant 0 : i32
    %dma_wait3A_30 = arith.constant 0 : i32
    %dma_wait3A_31 = tpu.memref_slice %arg20[%dma_wait3A, %dma_wait3A_30] : memref<10240x128xf32, #tpu.memory_space<vmem_shared>> -> memref<10240x128xf32, #tpu.memory_space<vmem_shared>>
    tpu.wait_indirect_dma semaphore(%arg26 : memref<!tpu.dma_semaphore, #tpu.memory_space<semaphore_mem>>) src(%arg14 : memref<80x128xf32, #tpu.memory_space<vmem>>) dst(%dma_wait3A_31 : memref<10240x128xf32, #tpu.memory_space<vmem_shared>>)
    %dma_wait3A_32 = arith.constant 0 : i32
    %dma_wait3A_33 = tpu.memref_slice %arg21[%dma_wait3A_32] : memref<10240xf32, #tpu.memory_space<vmem_shared>> -> memref<10240xf32, #tpu.memory_space<vmem_shared>>
    tpu.wait_indirect_dma semaphore(%arg26 : memref<!tpu.dma_semaphore, #tpu.memory_space<semaphore_mem>>) src(%arg16 : memref<80xf32, #tpu.memory_space<vmem>>) dst(%dma_wait3A_33 : memref<10240xf32, #tpu.memory_space<vmem_shared>>)
    %dma_wait3A_34 = arith.constant 0 : i32
    %dma_wait3A_35 = arith.constant 0 : i32
    %dma_wait3A_36 = tpu.memref_slice %arg20[%dma_wait3A_34, %dma_wait3A_35] : memref<10240x128xf32, #tpu.memory_space<vmem_shared>> -> memref<10240x128xf32, #tpu.memory_space<vmem_shared>>
    tpu.wait_indirect_dma semaphore(%arg27 : memref<!tpu.dma_semaphore, #tpu.memory_space<semaphore_mem>>) src(%arg15 : memref<80x128xf32, #tpu.memory_space<vmem>>) dst(%dma_wait3A_36 : memref<10240x128xf32, #tpu.memory_space<vmem_shared>>)
    %dma_wait3A_37 = arith.constant 0 : i32
    %dma_wait3A_38 = tpu.memref_slice %arg21[%dma_wait3A_37] : memref<10240xf32, #tpu.memory_space<vmem_shared>> -> memref<10240xf32, #tpu.memory_space<vmem_shared>>
    tpu.wait_indirect_dma semaphore(%arg27 : memref<!tpu.dma_semaphore, #tpu.memory_space<semaphore_mem>>) src(%arg17 : memref<80xf32, #tpu.memory_space<vmem>>) dst(%dma_wait3A_38 : memref<10240xf32, #tpu.memory_space<vmem_shared>>)
    %add3A_39 = arith.constant 124 : i32
    %add3A_40 = arith.addi %mul3A_24, %add3A_39 : i32
    %add3A_41 = arith.constant 0 : i32
    %add3A_42 = arith.addi %add3A_40, %add3A_41 : i32
    %mul3A_43 = arith.constant 80 : i32
    %mul3A_44 = arith.muli %add3A_42, %mul3A_43 : i32
    %multiple_of3A = tpu.assume_multiple %mul3A_44, 8 : i32
    "tpu.region"() ({
      %run_scoped3A = tpu.sem_alloc : memref<!tpu.dma_semaphore, #tpu.memory_space<semaphore_mem>>
      %dma_start3A_73 = tpu.memref_slice %arg4[%multiple_of3A] : memref<320000xi32, #tpu.memory_space<hbm>> -> memref<80xi32, #tpu.memory_space<hbm>>
      %dma_start3A_74 = tpu.memref_slice %arg4[%multiple_of3A] : memref<320000xi32, #tpu.memory_space<hbm>> -> memref<80xi32, #tpu.memory_space<hbm>>
      tpu.enqueue_dma source(%dma_start3A_74 : memref<80xi32, #tpu.memory_space<hbm>>) target(%arg10 : memref<80xi32, #tpu.memory_space<vmem>>) target_semaphore(%run_scoped3A : memref<!tpu.dma_semaphore, #tpu.memory_space<semaphore_mem>>)
      %dma_wait3A_75 = tpu.memref_slice %arg4[%multiple_of3A] : memref<320000xi32, #tpu.memory_space<hbm>> -> memref<80xi32, #tpu.memory_space<hbm>>
      %dma_wait3A_76 = tpu.memref_slice %arg4[%multiple_of3A] : memref<320000xi32, #tpu.memory_space<hbm>> -> memref<80xi32, #tpu.memory_space<hbm>>
      tpu.wait_dma2 semaphore(%run_scoped3A : memref<!tpu.dma_semaphore, #tpu.memory_space<semaphore_mem>>) src(%dma_wait3A_76 : memref<80xi32, #tpu.memory_space<hbm>>) dst(%arg10 : memref<80xi32, #tpu.memory_space<vmem>>)
      tpu.yield
    }) : () -> ()
    "tpu.region"() ({
      %run_scoped3A = tpu.sem_alloc : memref<!tpu.dma_semaphore, #tpu.memory_space<semaphore_mem>>
      %dma_start3A_73 = tpu.memref_slice %arg5[%multiple_of3A] : memref<320000xi32, #tpu.memory_space<hbm>> -> memref<80xi32, #tpu.memory_space<hbm>>
      %dma_start3A_74 = tpu.memref_slice %arg5[%multiple_of3A] : memref<320000xi32, #tpu.memory_space<hbm>> -> memref<80xi32, #tpu.memory_space<hbm>>
      tpu.enqueue_dma source(%dma_start3A_74 : memref<80xi32, #tpu.memory_space<hbm>>) target(%arg11 : memref<80xi32, #tpu.memory_space<vmem>>) target_semaphore(%run_scoped3A : memref<!tpu.dma_semaphore, #tpu.memory_space<semaphore_mem>>)
      %dma_wait3A_75 = tpu.memref_slice %arg5[%multiple_of3A] : memref<320000xi32, #tpu.memory_space<hbm>> -> memref<80xi32, #tpu.memory_space<hbm>>
      %dma_wait3A_76 = tpu.memref_slice %arg5[%multiple_of3A] : memref<320000xi32, #tpu.memory_space<hbm>> -> memref<80xi32, #tpu.memory_space<hbm>>
      tpu.wait_dma2 semaphore(%run_scoped3A : memref<!tpu.dma_semaphore, #tpu.memory_space<semaphore_mem>>) src(%dma_wait3A_76 : memref<80xi32, #tpu.memory_space<hbm>>) dst(%arg11 : memref<80xi32, #tpu.memory_space<vmem>>)
      tpu.yield
    }) : () -> ()
    %dma_start3A = arith.constant 0 : i32
    %dma_start3A_45 = arith.constant 0 : i32
    %dma_start3A_46 = tpu.memref_slice %arg2[%dma_start3A, %dma_start3A_45] : memref<10240x128xf32, #tpu.memory_space<hbm>> -> memref<10240x128xf32, #tpu.memory_space<hbm>>
    tpu.enqueue_indirect_dma source(%dma_start3A_46 : memref<10240x128xf32, #tpu.memory_space<hbm>>) target(%arg14 : memref<80x128xf32, #tpu.memory_space<vmem>>) offsets(%arg10 : memref<80xi32, #tpu.memory_space<vmem>>) semaphore(%arg24 : memref<!tpu.dma_semaphore, #tpu.memory_space<semaphore_mem>>)
    %dma_wait3A_47 = arith.constant 0 : i32
    %dma_wait3A_48 = arith.constant 0 : i32
    %dma_wait3A_49 = tpu.memref_slice %arg2[%dma_wait3A_47, %dma_wait3A_48] : memref<10240x128xf32, #tpu.memory_space<hbm>> -> memref<10240x128xf32, #tpu.memory_space<hbm>>
    tpu.wait_indirect_dma semaphore(%arg24 : memref<!tpu.dma_semaphore, #tpu.memory_space<semaphore_mem>>) src(%dma_wait3A_49 : memref<10240x128xf32, #tpu.memory_space<hbm>>) dst(%arg14 : memref<80x128xf32, #tpu.memory_space<vmem>>)
    "tpu.region"() ({
      %run_scoped3A = tpu.sem_alloc : memref<!tpu.dma_semaphore, #tpu.memory_space<semaphore_mem>>
      %dma_start3A_73 = arith.constant 0 : i32
      %dma_start3A_74 = tpu.memref_slice %arg3[%dma_start3A_73] : memref<10240xf32, #tpu.memory_space<hbm>> -> memref<10240xf32, #tpu.memory_space<hbm>>
      tpu.enqueue_indirect_dma source(%dma_start3A_74 : memref<10240xf32, #tpu.memory_space<hbm>>) target(%arg16 : memref<80xf32, #tpu.memory_space<vmem>>) offsets(%arg11 : memref<80xi32, #tpu.memory_space<vmem>>) semaphore(%run_scoped3A : memref<!tpu.dma_semaphore, #tpu.memory_space<semaphore_mem>>)
      %dma_wait3A_75 = arith.constant 0 : i32
      %dma_wait3A_76 = tpu.memref_slice %arg3[%dma_wait3A_75] : memref<10240xf32, #tpu.memory_space<hbm>> -> memref<10240xf32, #tpu.memory_space<hbm>>
      tpu.wait_indirect_dma semaphore(%run_scoped3A : memref<!tpu.dma_semaphore, #tpu.memory_space<semaphore_mem>>) src(%dma_wait3A_76 : memref<10240xf32, #tpu.memory_space<hbm>>) dst(%arg16 : memref<80xf32, #tpu.memory_space<vmem>>)
      tpu.yield
    }) : () -> ()
    "tpu.region"() ({
      %run_scoped3A = tpu.sem_alloc : memref<!tpu.dma_semaphore, #tpu.memory_space<semaphore_mem>>
      %dma_start3A_73 = arith.constant 0 : i32
      %dma_start3A_74 = arith.constant 0 : i32
      %dma_start3A_75 = tpu.memref_slice %arg20[%dma_start3A_73, %dma_start3A_74] : memref<10240x128xf32, #tpu.memory_space<vmem_shared>> -> memref<10240x128xf32, #tpu.memory_space<vmem_shared>>
      tpu.enqueue_indirect_dma source(%arg14 : memref<80x128xf32, #tpu.memory_space<vmem>>) target(%dma_start3A_75 : memref<10240x128xf32, #tpu.memory_space<vmem_shared>>) offsets(%arg11 : memref<80xi32, #tpu.memory_space<vmem>>) semaphore(%run_scoped3A : memref<!tpu.dma_semaphore, #tpu.memory_space<semaphore_mem>>) {add = true}
      %dma_wait3A_76 = arith.constant 0 : i32
      %dma_wait3A_77 = arith.constant 0 : i32
      %dma_wait3A_78 = tpu.memref_slice %arg20[%dma_wait3A_76, %dma_wait3A_77] : memref<10240x128xf32, #tpu.memory_space<vmem_shared>> -> memref<10240x128xf32, #tpu.memory_space<vmem_shared>>
      tpu.wait_indirect_dma semaphore(%run_scoped3A : memref<!tpu.dma_semaphore, #tpu.memory_space<semaphore_mem>>) src(%arg14 : memref<80x128xf32, #tpu.memory_space<vmem>>) dst(%dma_wait3A_78 : memref<10240x128xf32, #tpu.memory_space<vmem_shared>>)
      tpu.yield
    }) : () -> ()
    "tpu.region"() ({
      %run_scoped3A = tpu.sem_alloc : memref<!tpu.dma_semaphore, #tpu.memory_space<semaphore_mem>>
      %dma_start3A_73 = arith.constant 0 : i32
      %dma_start3A_74 = tpu.memref_slice %arg21[%dma_start3A_73] : memref<10240xf32, #tpu.memory_space<vmem_shared>> -> memref<10240xf32, #tpu.memory_space<vmem_shared>>
      tpu.enqueue_indirect_dma source(%arg16 : memref<80xf32, #tpu.memory_space<vmem>>) target(%dma_start3A_74 : memref<10240xf32, #tpu.memory_space<vmem_shared>>) offsets(%arg10 : memref<80xi32, #tpu.memory_space<vmem>>) semaphore(%run_scoped3A : memref<!tpu.dma_semaphore, #tpu.memory_space<semaphore_mem>>) {add = true}
      %dma_wait3A_75 = arith.constant 0 : i32
      %dma_wait3A_76 = tpu.memref_slice %arg21[%dma_wait3A_75] : memref<10240xf32, #tpu.memory_space<vmem_shared>> -> memref<10240xf32, #tpu.memory_space<vmem_shared>>
      tpu.wait_indirect_dma semaphore(%run_scoped3A : memref<!tpu.dma_semaphore, #tpu.memory_space<semaphore_mem>>) src(%arg16 : memref<80xf32, #tpu.memory_space<vmem>>) dst(%dma_wait3A_76 : memref<10240xf32, #tpu.memory_space<vmem_shared>>)
      tpu.yield
    }) : () -> ()
    %barrier3A_50 = arith.constant 0 : index
    tpu.barrier barrier_id(%barrier3A_50)
    %mul3A_51 = arith.constant 640 : i32
    %mul3A_52 = arith.muli %arg1, %mul3A_51 : i32
    %add3A_53 = arith.constant 0 : i32
    %add3A_54 = arith.addi %mul3A_52, %add3A_53 : i32
    "tpu.region"() ({
      %run_scoped3A = tpu.sem_alloc : memref<!tpu.dma_semaphore, #tpu.memory_space<semaphore_mem>>
      %dma_start3A_73 = arith.constant 0 : i32
      %dma_start3A_74 = tpu.memref_slice %arg8[%arg0, %add3A_54, %dma_start3A_73] : memref<2x10240x128xf32, #tpu.memory_space<hbm>> -> memref<1x128x128xf32, #tpu.memory_space<hbm>>
      %dma_start3A_75 = tpu.memref_squeeze %dma_start3A_74 : memref<1x128x128xf32, #tpu.memory_space<hbm>> -> memref<128x128xf32, #tpu.memory_space<hbm>>
      %dma_start3A_76 = arith.constant 0 : i32
      %dma_start3A_77 = tpu.memref_slice %arg20[%add3A_54, %dma_start3A_76] : memref<10240x128xf32, #tpu.memory_space<vmem_shared>> -> memref<128x128xf32, #tpu.memory_space<vmem_shared>>
      tpu.enqueue_dma source(%dma_start3A_77 : memref<128x128xf32, #tpu.memory_space<vmem_shared>>) target(%dma_start3A_75 : memref<128x128xf32, #tpu.memory_space<hbm>>) target_semaphore(%run_scoped3A : memref<!tpu.dma_semaphore, #tpu.memory_space<semaphore_mem>>)
      %dma_wait3A_78 = arith.constant 0 : i32
      %dma_wait3A_79 = tpu.memref_slice %arg8[%arg0, %add3A_54, %dma_wait3A_78] : memref<2x10240x128xf32, #tpu.memory_space<hbm>> -> memref<1x128x128xf32, #tpu.memory_space<hbm>>
      %dma_wait3A_80 = tpu.memref_squeeze %dma_wait3A_79 : memref<1x128x128xf32, #tpu.memory_space<hbm>> -> memref<128x128xf32, #tpu.memory_space<hbm>>
      %dma_wait3A_81 = arith.constant 0 : i32
      %dma_wait3A_82 = tpu.memref_slice %arg20[%add3A_54, %dma_wait3A_81] : memref<10240x128xf32, #tpu.memory_space<vmem_shared>> -> memref<128x128xf32, #tpu.memory_space<vmem_shared>>
      tpu.wait_dma2 semaphore(%run_scoped3A : memref<!tpu.dma_semaphore, #tpu.memory_space<semaphore_mem>>) src(%dma_wait3A_82 : memref<128x128xf32, #tpu.memory_space<vmem_shared>>) dst(%dma_wait3A_80 : memref<128x128xf32, #tpu.memory_space<hbm>>)
      tpu.yield
    }) : () -> ()
    %mul3A_55 = arith.constant 640 : i32
    %mul3A_56 = arith.muli %arg1, %mul3A_55 : i32
    %add3A_57 = arith.constant 128 : i32
    %add3A_58 = arith.addi %mul3A_56, %add3A_57 : i32
    "tpu.region"() ({
      %run_scoped3A = tpu.sem_alloc : memref<!tpu.dma_semaphore, #tpu.memory_space<semaphore_mem>>
      %dma_start3A_73 = arith.constant 0 : i32
      %dma_start3A_74 = tpu.memref_slice %arg8[%arg0, %add3A_58, %dma_start3A_73] : memref<2x10240x128xf32, #tpu.memory_space<hbm>> -> memref<1x128x128xf32, #tpu.memory_space<hbm>>
      %dma_start3A_75 = tpu.memref_squeeze %dma_start3A_74 : memref<1x128x128xf32, #tpu.memory_space<hbm>> -> memref<128x128xf32, #tpu.memory_space<hbm>>
      %dma_start3A_76 = arith.constant 0 : i32
      %dma_start3A_77 = tpu.memref_slice %arg20[%add3A_58, %dma_start3A_76] : memref<10240x128xf32, #tpu.memory_space<vmem_shared>> -> memref<128x128xf32, #tpu.memory_space<vmem_shared>>
      tpu.enqueue_dma source(%dma_start3A_77 : memref<128x128xf32, #tpu.memory_space<vmem_shared>>) target(%dma_start3A_75 : memref<128x128xf32, #tpu.memory_space<hbm>>) target_semaphore(%run_scoped3A : memref<!tpu.dma_semaphore, #tpu.memory_space<semaphore_mem>>)
      %dma_wait3A_78 = arith.constant 0 : i32
      %dma_wait3A_79 = tpu.memref_slice %arg8[%arg0, %add3A_58, %dma_wait3A_78] : memref<2x10240x128xf32, #tpu.memory_space<hbm>> -> memref<1x128x128xf32, #tpu.memory_space<hbm>>
      %dma_wait3A_80 = tpu.memref_squeeze %dma_wait3A_79 : memref<1x128x128xf32, #tpu.memory_space<hbm>> -> memref<128x128xf32, #tpu.memory_space<hbm>>
      %dma_wait3A_81 = arith.constant 0 : i32
      %dma_wait3A_82 = tpu.memref_slice %arg20[%add3A_58, %dma_wait3A_81] : memref<10240x128xf32, #tpu.memory_space<vmem_shared>> -> memref<128x128xf32, #tpu.memory_space<vmem_shared>>
      tpu.wait_dma2 semaphore(%run_scoped3A : memref<!tpu.dma_semaphore, #tpu.memory_space<semaphore_mem>>) src(%dma_wait3A_82 : memref<128x128xf32, #tpu.memory_space<vmem_shared>>) dst(%dma_wait3A_80 : memref<128x128xf32, #tpu.memory_space<hbm>>)
      tpu.yield
    }) : () -> ()
    %mul3A_59 = arith.constant 640 : i32
    %mul3A_60 = arith.muli %arg1, %mul3A_59 : i32
    %add3A_61 = arith.constant 256 : i32
    %add3A_62 = arith.addi %mul3A_60, %add3A_61 : i32
    "tpu.region"() ({
      %run_scoped3A = tpu.sem_alloc : memref<!tpu.dma_semaphore, #tpu.memory_space<semaphore_mem>>
      %dma_start3A_73 = arith.constant 0 : i32
      %dma_start3A_74 = tpu.memref_slice %arg8[%arg0, %add3A_62, %dma_start3A_73] : memref<2x10240x128xf32, #tpu.memory_space<hbm>> -> memref<1x128x128xf32, #tpu.memory_space<hbm>>
      %dma_start3A_75 = tpu.memref_squeeze %dma_start3A_74 : memref<1x128x128xf32, #tpu.memory_space<hbm>> -> memref<128x128xf32, #tpu.memory_space<hbm>>
      %dma_start3A_76 = arith.constant 0 : i32
      %dma_start3A_77 = tpu.memref_slice %arg20[%add3A_62, %dma_start3A_76] : memref<10240x128xf32, #tpu.memory_space<vmem_shared>> -> memref<128x128xf32, #tpu.memory_space<vmem_shared>>
      tpu.enqueue_dma source(%dma_start3A_77 : memref<128x128xf32, #tpu.memory_space<vmem_shared>>) target(%dma_start3A_75 : memref<128x128xf32, #tpu.memory_space<hbm>>) target_semaphore(%run_scoped3A : memref<!tpu.dma_semaphore, #tpu.memory_space<semaphore_mem>>)
      %dma_wait3A_78 = arith.constant 0 : i32
      %dma_wait3A_79 = tpu.memref_slice %arg8[%arg0, %add3A_62, %dma_wait3A_78] : memref<2x10240x128xf32, #tpu.memory_space<hbm>> -> memref<1x128x128xf32, #tpu.memory_space<hbm>>
      %dma_wait3A_80 = tpu.memref_squeeze %dma_wait3A_79 : memref<1x128x128xf32, #tpu.memory_space<hbm>> -> memref<128x128xf32, #tpu.memory_space<hbm>>
      %dma_wait3A_81 = arith.constant 0 : i32
      %dma_wait3A_82 = tpu.memref_slice %arg20[%add3A_62, %dma_wait3A_81] : memref<10240x128xf32, #tpu.memory_space<vmem_shared>> -> memref<128x128xf32, #tpu.memory_space<vmem_shared>>
      tpu.wait_dma2 semaphore(%run_scoped3A : memref<!tpu.dma_semaphore, #tpu.memory_space<semaphore_mem>>) src(%dma_wait3A_82 : memref<128x128xf32, #tpu.memory_space<vmem_shared>>) dst(%dma_wait3A_80 : memref<128x128xf32, #tpu.memory_space<hbm>>)
      tpu.yield
    }) : () -> ()
    %mul3A_63 = arith.constant 640 : i32
    %mul3A_64 = arith.muli %arg1, %mul3A_63 : i32
    %add3A_65 = arith.constant 384 : i32
    %add3A_66 = arith.addi %mul3A_64, %add3A_65 : i32
    "tpu.region"() ({
      %run_scoped3A = tpu.sem_alloc : memref<!tpu.dma_semaphore, #tpu.memory_space<semaphore_mem>>
      %dma_start3A_73 = arith.constant 0 : i32
      %dma_start3A_74 = tpu.memref_slice %arg8[%arg0, %add3A_66, %dma_start3A_73] : memref<2x10240x128xf32, #tpu.memory_space<hbm>> -> memref<1x128x128xf32, #tpu.memory_space<hbm>>
      %dma_start3A_75 = tpu.memref_squeeze %dma_start3A_74 : memref<1x128x128xf32, #tpu.memory_space<hbm>> -> memref<128x128xf32, #tpu.memory_space<hbm>>
      %dma_start3A_76 = arith.constant 0 : i32
      %dma_start3A_77 = tpu.memref_slice %arg20[%add3A_66, %dma_start3A_76] : memref<10240x128xf32, #tpu.memory_space<vmem_shared>> -> memref<128x128xf32, #tpu.memory_space<vmem_shared>>
      tpu.enqueue_dma source(%dma_start3A_77 : memref<128x128xf32, #tpu.memory_space<vmem_shared>>) target(%dma_start3A_75 : memref<128x128xf32, #tpu.memory_space<hbm>>) target_semaphore(%run_scoped3A : memref<!tpu.dma_semaphore, #tpu.memory_space<semaphore_mem>>)
      %dma_wait3A_78 = arith.constant 0 : i32
      %dma_wait3A_79 = tpu.memref_slice %arg8[%arg0, %add3A_66, %dma_wait3A_78] : memref<2x10240x128xf32, #tpu.memory_space<hbm>> -> memref<1x128x128xf32, #tpu.memory_space<hbm>>
      %dma_wait3A_80 = tpu.memref_squeeze %dma_wait3A_79 : memref<1x128x128xf32, #tpu.memory_space<hbm>> -> memref<128x128xf32, #tpu.memory_space<hbm>>
      %dma_wait3A_81 = arith.constant 0 : i32
      %dma_wait3A_82 = tpu.memref_slice %arg20[%add3A_66, %dma_wait3A_81] : memref<10240x128xf32, #tpu.memory_space<vmem_shared>> -> memref<128x128xf32, #tpu.memory_space<vmem_shared>>
      tpu.wait_dma2 semaphore(%run_scoped3A : memref<!tpu.dma_semaphore, #tpu.memory_space<semaphore_mem>>) src(%dma_wait3A_82 : memref<128x128xf32, #tpu.memory_space<vmem_shared>>) dst(%dma_wait3A_80 : memref<128x128xf32, #tpu.memory_space<hbm>>)
      tpu.yield
    }) : () -> ()
    %mul3A_67 = arith.constant 640 : i32
    %mul3A_68 = arith.muli %arg1, %mul3A_67 : i32
    %add3A_69 = arith.constant 512 : i32
    %add3A_70 = arith.addi %mul3A_68, %add3A_69 : i32
    "tpu.region"() ({
      %run_scoped3A = tpu.sem_alloc : memref<!tpu.dma_semaphore, #tpu.memory_space<semaphore_mem>>
      %dma_start3A_73 = arith.constant 0 : i32
      %dma_start3A_74 = tpu.memref_slice %arg8[%arg0, %add3A_70, %dma_start3A_73] : memref<2x10240x128xf32, #tpu.memory_space<hbm>> -> memref<1x128x128xf32, #tpu.memory_space<hbm>>
      %dma_start3A_75 = tpu.memref_squeeze %dma_start3A_74 : memref<1x128x128xf32, #tpu.memory_space<hbm>> -> memref<128x128xf32, #tpu.memory_space<hbm>>
      %dma_start3A_76 = arith.constant 0 : i32
      %dma_start3A_77 = tpu.memref_slice %arg20[%add3A_70, %dma_start3A_76] : memref<10240x128xf32, #tpu.memory_space<vmem_shared>> -> memref<128x128xf32, #tpu.memory_space<vmem_shared>>
      tpu.enqueue_dma source(%dma_start3A_77 : memref<128x128xf32, #tpu.memory_space<vmem_shared>>) target(%dma_start3A_75 : memref<128x128xf32, #tpu.memory_space<hbm>>) target_semaphore(%run_scoped3A : memref<!tpu.dma_semaphore, #tpu.memory_space<semaphore_mem>>)
      %dma_wait3A_78 = arith.constant 0 : i32
      %dma_wait3A_79 = tpu.memref_slice %arg8[%arg0, %add3A_70, %dma_wait3A_78] : memref<2x10240x128xf32, #tpu.memory_space<hbm>> -> memref<1x128x128xf32, #tpu.memory_space<hbm>>
      %dma_wait3A_80 = tpu.memref_squeeze %dma_wait3A_79 : memref<1x128x128xf32, #tpu.memory_space<hbm>> -> memref<128x128xf32, #tpu.memory_space<hbm>>
      %dma_wait3A_81 = arith.constant 0 : i32
      %dma_wait3A_82 = tpu.memref_slice %arg20[%add3A_70, %dma_wait3A_81] : memref<10240x128xf32, #tpu.memory_space<vmem_shared>> -> memref<128x128xf32, #tpu.memory_space<vmem_shared>>
      tpu.wait_dma2 semaphore(%run_scoped3A : memref<!tpu.dma_semaphore, #tpu.memory_space<semaphore_mem>>) src(%dma_wait3A_82 : memref<128x128xf32, #tpu.memory_space<vmem_shared>>) dst(%dma_wait3A_80 : memref<128x128xf32, #tpu.memory_space<hbm>>)
      tpu.yield
    }) : () -> ()
    %mul3A_71 = arith.constant 640 : i32
    %mul3A_72 = arith.muli %arg1, %mul3A_71 : i32
    "tpu.region"() ({
      %run_scoped3A = tpu.sem_alloc : memref<!tpu.dma_semaphore, #tpu.memory_space<semaphore_mem>>
      %dma_start3A_73 = tpu.memref_slice %arg9[%arg0, %mul3A_72] : memref<2x10240xf32, #tpu.memory_space<hbm>> -> memref<1x640xf32, #tpu.memory_space<hbm>>
      %dma_start3A_74 = tpu.memref_squeeze %dma_start3A_73 : memref<1x640xf32, #tpu.memory_space<hbm>> -> memref<640xf32, #tpu.memory_space<hbm>>
      %dma_start3A_75 = tpu.memref_slice %arg21[%mul3A_72] : memref<10240xf32, #tpu.memory_space<vmem_shared>> -> memref<640xf32, #tpu.memory_space<vmem_shared>>
      tpu.enqueue_dma source(%dma_start3A_75 : memref<640xf32, #tpu.memory_space<vmem_shared>>) target(%dma_start3A_74 : memref<640xf32, #tpu.memory_space<hbm>>) target_semaphore(%run_scoped3A : memref<!tpu.dma_semaphore, #tpu.memory_space<semaphore_mem>>)
      %dma_wait3A_76 = tpu.memref_slice %arg9[%arg0, %mul3A_72] : memref<2x10240xf32, #tpu.memory_space<hbm>> -> memref<1x640xf32, #tpu.memory_space<hbm>>
      %dma_wait3A_77 = tpu.memref_squeeze %dma_wait3A_76 : memref<1x640xf32, #tpu.memory_space<hbm>> -> memref<640xf32, #tpu.memory_space<hbm>>
      %dma_wait3A_78 = tpu.memref_slice %arg21[%mul3A_72] : memref<10240xf32, #tpu.memory_space<vmem_shared>> -> memref<640xf32, #tpu.memory_space<vmem_shared>>
      tpu.wait_dma2 semaphore(%run_scoped3A : memref<!tpu.dma_semaphore, #tpu.memory_space<semaphore_mem>>) src(%dma_wait3A_78 : memref<640xf32, #tpu.memory_space<vmem_shared>>) dst(%dma_wait3A_77 : memref<640xf32, #tpu.memory_space<hbm>>)
      tpu.yield
    }) : () -> ()
    return
  }
}

module attributes {stable_mosaic.version = 14 : i64} {
  func.func @_prep_body(%arg0: memref<2x10240x1xf32, #tpu.memory_space<vmem>>, %arg1: memref<2x10240x1xf32, #tpu.memory_space<vmem>>, %arg2: memref<10240x128xf32, #tpu.memory_space<vmem>>, %arg3: memref<10240x1xf32, #tpu.memory_space<vmem>>, %arg4: memref<10240x1xf32, #tpu.memory_space<vmem>>, %arg5: memref<10240x128xf32, #tpu.memory_space<vmem>>) attributes {dimension_semantics = [], scalar_prefetch = 0 : i64, scratch_operands = 0 : i64, tpu.core_type = #tpu.core_type<tc>} {
    %get3A = arith.constant 0 : index
    %get3A_0 = arith.constant 0 : index
    %get3A_1 = arith.constant 0 : index
    %get3A_2 = vector.load %arg0[%get3A, %get3A_0, %get3A_1] : memref<2x10240x1xf32, #tpu.memory_space<vmem>>, vector<1x10240x1xf32>
    %get3A_3 = vector.shape_cast %get3A_2 : vector<1x10240x1xf32> to vector<10240x1xf32>
    %get3A_4 = arith.constant 1 : index
    %get3A_5 = arith.constant 0 : index
    %get3A_6 = arith.constant 0 : index
    %get3A_7 = vector.load %arg0[%get3A_4, %get3A_5, %get3A_6] : memref<2x10240x1xf32, #tpu.memory_space<vmem>>, vector<1x10240x1xf32>
    %get3A_8 = vector.shape_cast %get3A_7 : vector<1x10240x1xf32> to vector<10240x1xf32>
    %add3A = arith.addf %get3A_3, %get3A_8 : vector<10240x1xf32>
    %get3A_9 = arith.constant 0 : index
    %get3A_10 = arith.constant 0 : index
    %get3A_11 = arith.constant 0 : index
    %get3A_12 = vector.load %arg1[%get3A_9, %get3A_10, %get3A_11] : memref<2x10240x1xf32, #tpu.memory_space<vmem>>, vector<1x10240x1xf32>
    %get3A_13 = vector.shape_cast %get3A_12 : vector<1x10240x1xf32> to vector<10240x1xf32>
    %get3A_14 = arith.constant 1 : index
    %get3A_15 = arith.constant 0 : index
    %get3A_16 = arith.constant 0 : index
    %get3A_17 = vector.load %arg1[%get3A_14, %get3A_15, %get3A_16] : memref<2x10240x1xf32, #tpu.memory_space<vmem>>, vector<1x10240x1xf32>
    %get3A_18 = vector.shape_cast %get3A_17 : vector<1x10240x1xf32> to vector<10240x1xf32>
    %add3A_19 = arith.addf %get3A_13, %get3A_18 : vector<10240x1xf32>
    %max3A = arith.constant 1.000000e+00 : f32
    %max3A_20 = vector.broadcast %max3A : f32 to vector<10240x1xf32>
    %max3A_21 = arith.maximumf %add3A, %max3A_20 : vector<10240x1xf32>
    %rsqrt3A = math.rsqrt %max3A_21 : vector<10240x1xf32>
    %swap3A = arith.constant 0 : index
    %swap3A_22 = arith.constant 0 : index
    %swap3A_23 = vector.load %arg3[%swap3A, %swap3A_22] : memref<10240x1xf32, #tpu.memory_space<vmem>>, vector<10240x1xf32>
    tpu.vector_store %arg3[%swap3A, %swap3A_22], %rsqrt3A {strides = array<i32>} : memref<10240x1xf32, #tpu.memory_space<vmem>>, vector<10240x1xf32>,
    %max3A_24 = arith.constant 1.000000e+00 : f32
    %max3A_25 = vector.broadcast %max3A_24 : f32 to vector<10240x1xf32>
    %max3A_26 = arith.maximumf %add3A_19, %max3A_25 : vector<10240x1xf32>
    %rsqrt3A_27 = math.rsqrt %max3A_26 : vector<10240x1xf32>
    %swap3A_28 = arith.constant 0 : index
    %swap3A_29 = arith.constant 0 : index
    %swap3A_30 = vector.load %arg4[%swap3A_28, %swap3A_29] : memref<10240x1xf32, #tpu.memory_space<vmem>>, vector<10240x1xf32>
    tpu.vector_store %arg4[%swap3A_28, %swap3A_29], %rsqrt3A_27 {strides = array<i32>} : memref<10240x1xf32, #tpu.memory_space<vmem>>, vector<10240x1xf32>,
    %get3A_31 = arith.constant 0 : index
    %get3A_32 = arith.constant 0 : index
    %get3A_33 = vector.load %arg2[%get3A_31, %get3A_32] : memref<10240x128xf32, #tpu.memory_space<vmem>>, vector<10240x128xf32>
    %mul3A = vector.broadcast %rsqrt3A : vector<10240x1xf32> to vector<10240x128xf32>
    %mul3A_34 = arith.mulf %get3A_33, %mul3A : vector<10240x128xf32>
    %swap3A_35 = arith.constant 0 : index
    %swap3A_36 = arith.constant 0 : index
    %swap3A_37 = vector.load %arg5[%swap3A_35, %swap3A_36] : memref<10240x128xf32, #tpu.memory_space<vmem>>, vector<10240x128xf32>
    tpu.vector_store %arg5[%swap3A_35, %swap3A_36], %mul3A_34 {strides = array<i32>} : memref<10240x128xf32, #tpu.memory_space<vmem>>, vector<10240x128xf32>,
    return
  }
}

module attributes {stable_mosaic.version = 14 : i64} {
  func.func @_finish_body(%arg0: i32, %arg1: memref<2x1280x128xf32, #tpu.memory_space<vmem>>, %arg2: memref<1280x1xf32, #tpu.memory_space<vmem>>, %arg3: memref<1280x1xf32, #tpu.memory_space<vmem>>, %arg4: memref<2x1280x1xf32, #tpu.memory_space<vmem>>, %arg5: memref<128x128xf32, #tpu.memory_space<vmem>>, %arg6: memref<1x128xf32, #tpu.memory_space<vmem>>, %arg7: memref<128x128xf32, #tpu.memory_space<vmem>>, %arg8: memref<1x128xf32, #tpu.memory_space<vmem>>, %arg9: memref<128x128xf32, #tpu.memory_space<vmem>>, %arg10: memref<1x128xf32, #tpu.memory_space<vmem>>, %arg11: memref<1x128xf32, #tpu.memory_space<vmem>>, %arg12: memref<1x128xf32, #tpu.memory_space<vmem>>) attributes {dimension_semantics = [#tpu.dimension_semantics<arbitrary>], iteration_bounds = array<i64: 8>, scalar_prefetch = 0 : i64, scratch_operands = 1 : i64, tpu.core_type = #tpu.core_type<tc>, window_params = [{transform_indices = @transform_0, window_bounds = array<i64: 2, 1280, 128>}, {transform_indices = @transform_1, window_bounds = array<i64: 1280, 1>}, {transform_indices = @transform_2, window_bounds = array<i64: 1280, 1>}, {transform_indices = @transform_3, window_bounds = array<i64: 2, 1280, 1>}, {pipeline_mode = #tpu.pipeline_mode<synchronous>, transform_indices = @transform_4, window_bounds = array<i64: 128, 128>}, {pipeline_mode = #tpu.pipeline_mode<synchronous>, transform_indices = @transform_5, window_bounds = array<i64: 1, 128>}, {pipeline_mode = #tpu.pipeline_mode<synchronous>, transform_indices = @transform_6, window_bounds = array<i64: 128, 128>}, {pipeline_mode = #tpu.pipeline_mode<synchronous>, transform_indices = @transform_7, window_bounds = array<i64: 1, 128>}, {pipeline_mode = #tpu.pipeline_mode<synchronous>, transform_indices = @transform_8, window_bounds = array<i64: 128, 128>}, {pipeline_mode = #tpu.pipeline_mode<synchronous>, transform_indices = @transform_9, window_bounds = array<i64: 1, 128>}, {pipeline_mode = #tpu.pipeline_mode<synchronous>, transform_indices = @transform_10, window_bounds = array<i64: 1, 128>}]} {
    %eq3A = arith.constant 0 : i32
    %eq3A_0 = arith.cmpi eq, %arg0, %eq3A : i32
    %convert_element_type3A = arith.extui %eq3A_0 : i1 to i32
    %cond3A = arith.constant 0 : i32
    %cond3A_1 = arith.cmpi ne, %convert_element_type3A, %cond3A : i32
    scf.if %cond3A_1 {
      %broadcast_in_dim3A_56 = arith.constant 0.000000e+00 : f32
      %broadcast_in_dim3A_57 = vector.broadcast %broadcast_in_dim3A_56 : f32 to vector<1x128xf32>
      %swap3A_58 = arith.constant 0 : index
      %swap3A_59 = arith.constant 0 : index
      %swap3A_60 = vector.load %arg12[%swap3A_58, %swap3A_59] : memref<1x128xf32, #tpu.memory_space<vmem>>, vector<1x128xf32>
      tpu.vector_store %arg12[%swap3A_58, %swap3A_59], %broadcast_in_dim3A_57 {strides = array<i32>} : memref<1x128xf32, #tpu.memory_space<vmem>>, vector<1x128xf32>,
    } else {
    }
    %get3A = arith.constant 0 : index
    %get3A_2 = arith.constant 0 : index
    %get3A_3 = arith.constant 0 : index
    %get3A_4 = vector.load %arg1[%get3A, %get3A_2, %get3A_3] : memref<2x1280x128xf32, #tpu.memory_space<vmem>>, vector<1x1280x128xf32>
    %get3A_5 = vector.shape_cast %get3A_4 : vector<1x1280x128xf32> to vector<1280x128xf32>
    %get3A_6 = arith.constant 1 : index
    %get3A_7 = arith.constant 0 : index
    %get3A_8 = arith.constant 0 : index
    %get3A_9 = vector.load %arg1[%get3A_6, %get3A_7, %get3A_8] : memref<2x1280x128xf32, #tpu.memory_space<vmem>>, vector<1x1280x128xf32>
    %get3A_10 = vector.shape_cast %get3A_9 : vector<1x1280x128xf32> to vector<1280x128xf32>
    %add3A = arith.addf %get3A_5, %get3A_10 : vector<1280x128xf32>
    %get3A_11 = arith.constant 0 : index
    %get3A_12 = arith.constant 0 : index
    %get3A_13 = vector.load %arg2[%get3A_11, %get3A_12] : memref<1280x1xf32, #tpu.memory_space<vmem>>, vector<1280x1xf32>
    %mul3A = vector.broadcast %get3A_13 : vector<1280x1xf32> to vector<1280x128xf32>
    %mul3A_14 = arith.mulf %add3A, %mul3A : vector<1280x128xf32>
    %get3A_15 = arith.constant 0 : index
    %get3A_16 = arith.constant 0 : index
    %get3A_17 = vector.load %arg5[%get3A_15, %get3A_16] : memref<128x128xf32, #tpu.memory_space<vmem>>, vector<128x128xf32>
    %dot_general3A = arith.constant dense<0.000000e+00> : vector<1280x128xf32>
    %dot_general3A_18 = tpu.matmul %mul3A_14, %get3A_17, %dot_general3A {dimension_numbers = #tpu.dot_dimension_numbers<[1], [0], [0], [1], [0, 0, 1, 1], [], []>, transpose_lhs_hint = false} : vector<1280x128xf32>, vector<128x128xf32>, vector<1280x128xf32> -> vector<1280x128xf32>
    %get3A_19 = arith.constant 0 : index
    %get3A_20 = arith.constant 0 : index
    %get3A_21 = vector.load %arg6[%get3A_19, %get3A_20] : memref<1x128xf32, #tpu.memory_space<vmem>>, vector<1x128xf32>
    %add3A_22 = vector.broadcast %get3A_21 : vector<1x128xf32> to vector<1280x128xf32>
    %add3A_23 = arith.addf %dot_general3A_18, %add3A_22 : vector<1280x128xf32>
    %max3A = arith.constant 0.000000e+00 : f32
    %max3A_24 = vector.broadcast %max3A : f32 to vector<1280x128xf32>
    %max3A_25 = arith.maximumf %add3A_23, %max3A_24 : vector<1280x128xf32>
    %get3A_26 = arith.constant 0 : index
    %get3A_27 = arith.constant 0 : index
    %get3A_28 = vector.load %arg3[%get3A_26, %get3A_27] : memref<1280x1xf32, #tpu.memory_space<vmem>>, vector<1280x1xf32>
    %mul3A_29 = vector.broadcast %get3A_28 : vector<1280x1xf32> to vector<1280x128xf32>
    %mul3A_30 = arith.mulf %max3A_25, %mul3A_29 : vector<1280x128xf32>
    %get3A_31 = arith.constant 0 : index
    %get3A_32 = arith.constant 0 : index
    %get3A_33 = arith.constant 0 : index
    %get3A_34 = vector.load %arg4[%get3A_31, %get3A_32, %get3A_33] : memref<2x1280x1xf32, #tpu.memory_space<vmem>>, vector<1x1280x1xf32>
    %get3A_35 = vector.shape_cast %get3A_34 : vector<1x1280x1xf32> to vector<1280x1xf32>
    %get3A_36 = arith.constant 1 : index
    %get3A_37 = arith.constant 0 : index
    %get3A_38 = arith.constant 0 : index
    %get3A_39 = vector.load %arg4[%get3A_36, %get3A_37, %get3A_38] : memref<2x1280x1xf32, #tpu.memory_space<vmem>>, vector<1x1280x1xf32>
    %get3A_40 = vector.shape_cast %get3A_39 : vector<1x1280x1xf32> to vector<1280x1xf32>
    %add3A_41 = arith.addf %get3A_35, %get3A_40 : vector<1280x1xf32>
    %get3A_42 = arith.constant 0 : index
    %get3A_43 = arith.constant 0 : index
    %get3A_44 = vector.load %arg12[%get3A_42, %get3A_43] : memref<1x128xf32, #tpu.memory_space<vmem>>, vector<1x128xf32>
    %mul3A_45 = vector.broadcast %add3A_41 : vector<1280x1xf32> to vector<1280x128xf32>
    %mul3A_46 = arith.mulf %mul3A_30, %mul3A_45 : vector<1280x128xf32>
    %reduce_sum3A = arith.constant dense<0.000000e+00> : vector<128xf32>
    %reduce_sum3A_47 = vector.multi_reduction <add>, %mul3A_46, %reduce_sum3A [0] : vector<1280x128xf32> to vector<128xf32>
    %broadcast_in_dim3A = vector.shape_cast %reduce_sum3A_47 : vector<128xf32> to vector<1x128xf32>
    %add3A_48 = arith.addf %get3A_44, %broadcast_in_dim3A : vector<1x128xf32>
    %swap3A = arith.constant 0 : index
    %swap3A_49 = arith.constant 0 : index
    %swap3A_50 = vector.load %arg12[%swap3A, %swap3A_49] : memref<1x128xf32, #tpu.memory_space<vmem>>, vector<1x128xf32>
    tpu.vector_store %arg12[%swap3A, %swap3A_49], %add3A_48 {strides = array<i32>} : memref<1x128xf32, #tpu.memory_space<vmem>>, vector<1x128xf32>,
    %eq3A_51 = arith.constant 7 : i32
    %eq3A_52 = arith.cmpi eq, %arg0, %eq3A_51 : i32
    %convert_element_type3A_53 = arith.extui %eq3A_52 : i1 to i32
    %cond3A_54 = arith.constant 0 : i32
    %cond3A_55 = arith.cmpi ne, %convert_element_type3A_53, %cond3A_54 : i32
    scf.if %cond3A_55 {
      %get3A_56 = arith.constant 0 : index
      %get3A_57 = arith.constant 0 : index
      %get3A_58 = vector.load %arg12[%get3A_56, %get3A_57] : memref<1x128xf32, #tpu.memory_space<vmem>>, vector<1x128xf32>
      %mul3A_59 = arith.constant 9.99999974E-5 : f32
      %mul3A_60 = vector.broadcast %mul3A_59 : f32 to vector<1x128xf32>
      %mul3A_61 = arith.mulf %get3A_58, %mul3A_60 : vector<1x128xf32>
      %get3A_62 = arith.constant 0 : index
      %get3A_63 = arith.constant 0 : index
      %get3A_64 = vector.load %arg7[%get3A_62, %get3A_63] : memref<128x128xf32, #tpu.memory_space<vmem>>, vector<128x128xf32>
      %dot_general3A_65 = arith.constant dense<0.000000e+00> : vector<1x128xf32>
      %dot_general3A_66 = tpu.matmul %mul3A_61, %get3A_64, %dot_general3A_65 {dimension_numbers = #tpu.dot_dimension_numbers<[1], [0], [0], [1], [0, 0, 1, 1], [], []>, transpose_lhs_hint = false} : vector<1x128xf32>, vector<128x128xf32>, vector<1x128xf32> -> vector<1x128xf32>
      %get3A_67 = arith.constant 0 : index
      %get3A_68 = arith.constant 0 : index
      %get3A_69 = vector.load %arg8[%get3A_67, %get3A_68] : memref<1x128xf32, #tpu.memory_space<vmem>>, vector<1x128xf32>
      %add3A_70 = arith.addf %dot_general3A_66, %get3A_69 : vector<1x128xf32>
      %get3A_71 = arith.constant 0 : index
      %get3A_72 = arith.constant 0 : index
      %get3A_73 = vector.load %arg9[%get3A_71, %get3A_72] : memref<128x128xf32, #tpu.memory_space<vmem>>, vector<128x128xf32>
      %dot_general3A_74 = arith.constant dense<0.000000e+00> : vector<1x128xf32>
      %dot_general3A_75 = tpu.matmul %add3A_70, %get3A_73, %dot_general3A_74 {dimension_numbers = #tpu.dot_dimension_numbers<[1], [0], [0], [1], [0, 0, 1, 1], [], []>, transpose_lhs_hint = false} : vector<1x128xf32>, vector<128x128xf32>, vector<1x128xf32> -> vector<1x128xf32>
      %get3A_76 = arith.constant 0 : index
      %get3A_77 = arith.constant 0 : index
      %get3A_78 = vector.load %arg10[%get3A_76, %get3A_77] : memref<1x128xf32, #tpu.memory_space<vmem>>, vector<1x128xf32>
      %add3A_79 = arith.addf %dot_general3A_75, %get3A_78 : vector<1x128xf32>
      %swap3A_80 = arith.constant 0 : index
      %swap3A_81 = arith.constant 0 : index
      %swap3A_82 = vector.load %arg11[%swap3A_80, %swap3A_81] : memref<1x128xf32, #tpu.memory_space<vmem>>, vector<1x128xf32>
      tpu.vector_store %arg11[%swap3A_80, %swap3A_81], %add3A_79 {strides = array<i32>} : memref<1x128xf32, #tpu.memory_space<vmem>>, vector<1x128xf32>,
    } else {
    }
    return
  }
  func.func @transform_0(%arg0: i32) -> (i32, i32, i32) {
    %c0_i32 = arith.constant 0 : i32
    %c0_i32_0 = arith.constant 0 : i32
    %c0_i32_1 = arith.constant 0 : i32
    return %c0_i32, %arg0, %c0_i32_0 : i32, i32, i32
  }
  func.func @transform_1(%arg0: i32) -> (i32, i32) {
    %c0_i32 = arith.constant 0 : i32
    %c0_i32_0 = arith.constant 0 : i32
    return %arg0, %c0_i32 : i32, i32
  }
  func.func @transform_2(%arg0: i32) -> (i32, i32) {
    %c0_i32 = arith.constant 0 : i32
    %c0_i32_0 = arith.constant 0 : i32
    return %arg0, %c0_i32 : i32, i32
  }
  func.func @transform_3(%arg0: i32) -> (i32, i32, i32) {
    %c0_i32 = arith.constant 0 : i32
    %c0_i32_0 = arith.constant 0 : i32
    %c0_i32_1 = arith.constant 0 : i32
    return %c0_i32, %arg0, %c0_i32_0 : i32, i32, i32
  }
  func.func @transform_4(%arg0: i32) -> (i32, i32) {
    %c0_i32 = arith.constant 0 : i32
    %c0_i32_0 = arith.constant 0 : i32
    %c0_i32_1 = arith.constant 0 : i32
    return %c0_i32, %c0_i32_0 : i32, i32
  }
  func.func @transform_5(%arg0: i32) -> (i32, i32) {
    %c0_i32 = arith.constant 0 : i32
    %c0_i32_0 = arith.constant 0 : i32
    %c0_i32_1 = arith.constant 0 : i32
    return %c0_i32, %c0_i32_0 : i32, i32
  }
  func.func @transform_6(%arg0: i32) -> (i32, i32) {
    %c0_i32 = arith.constant 0 : i32
    %c0_i32_0 = arith.constant 0 : i32
    %c0_i32_1 = arith.constant 0 : i32
    return %c0_i32, %c0_i32_0 : i32, i32
  }
  func.func @transform_7(%arg0: i32) -> (i32, i32) {
    %c0_i32 = arith.constant 0 : i32
    %c0_i32_0 = arith.constant 0 : i32
    %c0_i32_1 = arith.constant 0 : i32
    return %c0_i32, %c0_i32_0 : i32, i32
  }
  func.func @transform_8(%arg0: i32) -> (i32, i32) {
    %c0_i32 = arith.constant 0 : i32
    %c0_i32_0 = arith.constant 0 : i32
    %c0_i32_1 = arith.constant 0 : i32
    return %c0_i32, %c0_i32_0 : i32, i32
  }
  func.func @transform_9(%arg0: i32) -> (i32, i32) {
    %c0_i32 = arith.constant 0 : i32
    %c0_i32_0 = arith.constant 0 : i32
    %c0_i32_1 = arith.constant 0 : i32
    return %c0_i32, %c0_i32_0 : i32, i32
  }
  func.func @transform_10(%arg0: i32) -> (i32, i32) {
    %c0_i32 = arith.constant 0 : i32
    %c0_i32_0 = arith.constant 0 : i32
    %c0_i32_1 = arith.constant 0 : i32
    return %c0_i32, %c0_i32_0 : i32, i32
  }
}

</mosaic_0001>

<sc_bundles>
// kernel: kernel.6.cloned.1.call-start
scs
__scs_entry_jumppad:
0x0: {  	(pc) =	sbr.rel $0x88, $3  }
0x1: {  	(tag) =	ssettag $0x0;
	lr =	simm.s32 $0x1  }
0x2: {  	[smem:$0x3F99] =	sst lr;
	_ =	strace $0xD0000000  }
0x3: {  	_ = 	snop  }
0x4: {  	_ = 	snop  }
0x5: {  	_ = 	snop  }
0x6: {  	_ = 	snop  }
0x7: {  	_ = 	snop  }
__scs_overlays_trampoline_lowered:
0x8: {  	[smem:$0x3FA8] =	sst s0  }
0x9: {  	[smem:$0x3FA9] =	sst s1  }
0xa: {  	[smem:$0x3FAA] =	sst s2  }
0xb: {  	[smem:$0x3FAB] =	sst s3  }
0xc: {  	[smem:$0x3FAC] =	sst s4  }
0xd: {  	[smem:$0x3FAD] =	sst s5  }
0xe: {  	[smem:$0x3FAE] =	sst s6  }
0xf: {  	[smem:$0x3FAF] =	sst s7  }
0x10: {  	[smem:$0x3FB0] =	sst s8  }
0x11: {  	[smem:$0x3FB1] =	sst s9;
	s0 =	simm.s32 @!p0 $0x0  }
0x12: {  	s1 =	sld [smem:$0x3F97];
	s0 =	simm.s32 @p0 $0x1  }
0x13: {  	[smem:$0x3FB2] =	sst s0;
	s0 =	simm.s32 @!p1 $0x0  }
0x14: {  	s2 =	sld [smem:$0x3F96];
	s0 =	simm.s32 @p1 $0x1  }
0x15: {  	[smem:$0x3FB3] =	sst s0;
	s0 =	simm.s32 @!p2 $0x0  }
0x16: {  	s3 =	sld [smem:$0x3FDB];
	s0 =	simm.s32 @p2 $0x1  }
0x17: {  	s4 =	simm.s32 $0x1BF5;
	[smem:$0x3FB5] =	sst s0  }
0x18: {  	s0 =	sld [smem:$0x3F98];
	_ =	swait.ge [sflag:s4], $0x0  }
0x19: {  	s7 =	sld [smem:$0x3F99]  }
0x1a: {  	s8 =	sadd.s32 $0xFFFFE003, lr  }
0x1b: {  	s9 =	sadd.s32 $0xFFFFFEF7, lr;
	s5 =	simm.s32 $0xFFFFFFFF;
	p2 =	slt.u32 s8, $0xFFFFF086  }
0x1c: {  	p1 =	slt.u32 s9, $0xF7A;
	s5 =	simm.s32 @!p2 $0x0  }
0x1d: {  	s5 =	simm.s32 @p1 $0x1;
	p0 =	seq.s32 s7, s2  }
0x1e: {  	s7 =	smul.u32 @!p0 $0xF7A, s2;
	p2 =	seq.s32 @!p0 s5, $0x0  }
0x1f: {  	s9 =	smul.u32 $0xF7A, s1;
	s8 =	simm.s32 @!p0 $0x1BF5;
	p2 =	por !p2, p0  }
0x20: {  	[sflag:s8] =	ssyncset.s32 @!p0 $0xFFFFF086;
	s6 =	sadd.s32 @!p0 s3, s7;
	s7 =	simm.s32 @!p0 $0x108  }
0x21: {  	s3 =	sadd.s32 s3, s9;
	s6 =	sadd.s32 @!p0 $0x88, s6;
	s7 =	simm.s32 @p2 $0x1082  }
0x22: {  	[simem:s7], [sflag:s8] =	dma.local @!p0 [hbm:s6], $0xF7A  }
0x23: {  	s9 =	sor.u32 $0xD0000000, s2;
	s6 =	simm.s32 $0x108;
	_ =	swait.ge @!p0 [sflag:s8], $0x0  }
0x24: {  	s3 =	sadd.s32 $0x88, s3;
	s6 =	simm.s32 @!p1 $0x1082;
	[sflag:s4] =	ssyncset.s32 $0xFFFFF086  }
0x25: {  	[simem:s6], [sflag:s4] =	dma.local [hbm:s3], $0xF7A  }
0x26: {  	[smem:$0x3F99] =	sst s1;
	(tag) =	ssettag s2;
	_ =	strace s9  }
0x27: {  	s1 =	sld [smem:$0x3FA9]  }
0x28: {  	s2 =	sld [smem:$0x3FAA]  }
0x29: {  	s4 =	sld [smem:$0x3FAC]  }
0x2a: {  	p0 =	seq.s32 s5, $0x0;
	s5 =	sld [smem:$0x3FAD]  }
0x2b: {  	s6 =	sld [smem:$0x3FAE]  }
0x2c: {  	s7 =	sld [smem:$0x3FAF]  }
0x2d: {  	s3 =	simm.s32 $0x108;
	s8 =	sld [smem:$0x3FB0]  }
0x2e: {  	s3 =	simm.s32 @!p0 $0x1082;
	s9 =	sld [smem:$0x3FB1]  }
0x2f: {  	lr =	sadd.s32 s0, s3;
	s0 =	sld [smem:$0x3FA8]  }
0x30: {  	s3 =	sld [smem:$0x3FAB]  }
0x31: {  	[smem:$0x3FB4] =	sst s10  }
0x32: {  	s10 =	sld [smem:$0x3FB2];
	_ =	sdelay $0x3  }
0x33: {  	p0 =	seq.s32 s10, $0x1;
	s10 =	sld [smem:$0x3FB4];
	_ =	sdelay $0x3  }
0x34: {  	[smem:$0x3FB4] =	sst s10  }
0x35: {  	s10 =	sld [smem:$0x3FB3];
	_ =	sdelay $0x3  }
0x36: {  	p1 =	seq.s32 s10, $0x1;
	s10 =	sld [smem:$0x3FB4];
	_ =	sdelay $0x3  }
0x37: {  	[smem:$0x3FB4] =	sst s10  }
0x38: {  	s10 =	sld [smem:$0x3FB5]  }
0x39: {  	_ = 	snop;
	(pc) =	sbr.ind lr, $3  }
0x3a: {  	_ = 	snop  }
0x3b: {  	_ = 	snop  }
0x3c: {  	p2 =	seq.s32 s10, $0x1;
	s10 =	sld [smem:$0x3FB4]  }
0x3d: {  	_ =	shalt  }
0x3e: {  	_ =	shalt  }
0x3f: {  	_ =	shalt  }
0x40: {  	_ =	shalt  }
0x41: {  	_ =	shalt  }
0x42: {  	_ =	shalt  }
0x43: {  	_ =	shalt  }
0x44: {  	_ =	shalt  }
0x45: {  	_ =	shalt  }
0x46: {  	_ =	shalt  }
0x47: {  	_ =	shalt  }
0x48: {  	_ =	shalt  }
0x49: {  	_ =	shalt  }
0x4a: {  	_ =	shalt  }
0x4b: {  	_ =	shalt  }
0x4c: {  	_ =	shalt  }
0x4d: {  	_ =	shalt  }
0x4e: {  	_ =	shalt  }
0x4f: {  	_ =	shalt  }
0x50: {  	_ =	shalt  }
0x51: {  	_ =	shalt  }
0x52: {  	_ =	shalt  }
0x53: {  	_ =	shalt  }
0x54: {  	_ =	shalt  }
0x55: {  	_ =	shalt  }
0x56: {  	_ =	shalt  }
0x57: {  	_ =	shalt  }
0x58: {  	_ =	shalt  }
0x59: {  	_ =	shalt  }
0x5a: {  	_ =	shalt  }
0x5b: {  	_ =	shalt  }
0x5c: {  	_ =	shalt  }
0x5d: {  	_ =	shalt  }
0x5e: {  	_ =	shalt  }
0x5f: {  	_ =	shalt  }
0x60: {  	_ =	shalt  }
0x61: {  	_ =	shalt  }
0x62: {  	_ =	shalt  }
0x63: {  	_ =	shalt  }
0x64: {  	_ =	shalt  }
0x65: {  	_ =	shalt  }
0x66: {  	_ =	shalt  }
0x67: {  	_ =	shalt  }
0x68: {  	_ =	shalt  }
0x69: {  	_ =	shalt  }
0x6a: {  	_ =	shalt  }
0x6b: {  	_ =	shalt  }
0x6c: {  	_ =	shalt  }
0x6d: {  	_ =	shalt  }
0x6e: {  	_ =	shalt  }
0x6f: {  	_ =	shalt  }
0x70: {  	_ =	shalt  }
0x71: {  	_ =	shalt  }
0x72: {  	_ =	shalt  }
0x73: {  	_ =	shalt  }
0x74: {  	_ =	shalt  }
0x75: {  	_ =	shalt  }
0x76: {  	_ =	shalt  }
0x77: {  	_ =	shalt  }
0x78: {  	_ =	shalt  }
0x79: {  	_ =	shalt  }
0x7a: {  	_ =	shalt  }
0x7b: {  	_ =	shalt  }
0x7c: {  	_ =	shalt  }
0x7d: {  	_ =	shalt  }
0x7e: {  	_ =	shalt  }
0x7f: {  	_ =	shalt  }
0x80: {  	_ =	shalt  }
0x81: {  	_ =	shalt  }
0x82: {  	_ =	shalt  }
0x83: {  	_ =	shalt  }
0x84: {  	_ =	shalt  }
0x85: {  	_ =	shalt  }
0x86: {  	_ =	shalt  }
0x87: {  	_ =	shalt  }
.Lfunc_end0:
.L_simem_size_0:
called_computation_lowered:
.L_overlay_start_0:
0x88: {  	s2 =	sld [smem:$0x3FD9]  }
0x89: {  	s3 =	sld [smem:$0x3FFE];
	_ =	sdelay $0x1  }
0x8a: {  	s1 =	srdreg.scid  }
0x8b: {  	s0 =	sand.u32 $0x1, s1  }
0x8c: {  	s17 =	sshll.u32 s0, $0xA;
	s2 =	sadd.s32 s3, s2  }
0x8d: {  	s2 =	sadd.s32 s2, s17  }
0x8e: {  	[smem:$0x3FC0] =	sst s2  }
0x8f: {  	_ = 	snop  }
0x90: {  	s2 =	sld [smem:$0x3FD0];
	(tm) =	ssettm $0x1  }
0x91: {  	s18 =	sld [smem:$0x3FFB];
	_ =	sdelay $0x3  }
0x92: {  	_ =	strace s18  }
0x93: {  	s3 =	sld [smem:$0x3FFC];
	_ =	sdelay $0x3  }
0x94: {  	_ =	strace s3  }
0x95: {  	s3 =	sld [smem:$0x3FFD];
	_ =	sdelay $0x3  }
0x96: {  	_ =	strace s3  }
0x97: {  	_ =	strace $0x8FFFFFFF  }
0x98: {  	s19 =	sld [smem:$0x3FDB];
	_ =	sdelay $0x1  }
0x99: {  	s4 =	simm.s32 $_scs_section_size  }
0x9a: {  	s5 =	simm.s32 $_size__tile_overlayer_lowered;
	s6 =	simm.s32 $_tile_overlayer_lowered  }
0x9b: {  	s22 =	simm.s32 $0x1BFF;
	s21 =	sshll.u32 s6, $0x1;
	s3 =	sadd.s32 s4, s19  }
0x9c: {  	s7 =	simm.s32 $0x0;
	s20 =	sshll.u32 s5, $0x1;
	s5 =	sadd.s32 s21, s3  }
0x9d: {  	[timem:s7], [sflag:s22] =	dma.local [hbm:s5], s20  }
0x9e: {  	_ =	swait.ge [sflag:s22], s20  }
0x9f: {  	s4 =	ssub.s32 $0x0, s20;
	[sflag:s22] =	ssyncset.done $0x0  }
0xa0: {  	[sflag:s22] =	ssyncadd.s32 s4;
	_ =	sdelay $0x1  }
0xa1: {  	s23 =	simm.s32 $0x1B8B  }
0xa2: {  	_ =	swait.ge [sflag:s23], $0x1  }
0xa3: {  	[sflag:s23] =	ssyncset.done $0x0  }
0xa4: {  	s25 =	simm.s32 $0x1B8E;
	s24 =	sld [smem:$0x3FFE];
	[sflag:s23] =	ssyncadd.s32 $0xFFFFFFFF  }
0xa5: {  	s26 =	simm.s32 $execute0_lowered;
	[smem:$0x3FD2] =	sst s25  }
0xa6: {  	s5 =	sshll.u32 s26, $0x1;
	_ =	strace $0x80000046;
	[dreg:$0x1] =	wrdreg $0xFFFFFFFF  }
0xa7: {  	s28 =	simm.s32 $_size_execute0_lowered;
	s3 =	sadd.s32 s3, s5;
	[dreg:$0x0] =	wrdreg $0x0  }
0xa8: {  	s5 =	sshll.u32 s28, $0x1;
	[dreg:$0x2] =	wrdreg s3  }
0xa9: {  	[dreg:$0x3] =	wrdreg s5  }
0xaa: {  	[dreg:$0x4] =	wrdreg $0xC0  }
0xab: {  	_ =	task [dreg:s7], $0x5FFFF  }
0xac: {  	[dreg:$0x1] =	wrdreg $0xFFFFFFFF  }
0xad: {  	[dreg:$0x0] =	wrdreg $0x60  }
0xae: {  	[dreg:$0x2] =	wrdreg s24  }
0xaf: {  	[dreg:$0x3] =	wrdreg s2  }
0xb0: {  	[dreg:$0x4] =	wrdreg $0x5000  }
0xb1: {  	[dreg:$0x5] =	wrdreg $0x7800  }
0xb2: {  	[dreg:$0x6] =	wrdreg $0x9  }
0xb3: {  	_ =	task.clear_ibuf [dreg:s7], $0x7FFFF;
	_ =	strace $0x90000046  }
0xb4: {  	s29 =	simm.s32 $0x9;
	_ =	strace $0x80000048  }
0xb5: {  	_ =	swait.ge [sflag:s29], $0x1  }
0xb6: {  	[sflag:s29] =	ssyncadd.s32 $0xFFFFFFFF  }
0xb7: {  	_ =	strace $0x90000048  }
0xb8: {  	_ =	sfence  }
0xb9: {  	s30 =	sld [smem:$0x0];
	_ =	sdelay $0x2  }
0xba: {  	s31 =	sshll.u32 s1, $0xD;
	s1 =	sshrl.u32 s1, $0x2  }
0xbb: {  	s3 =	sand.u32 $0x4000, s31;
	s1 =	sadd.s32 s1, s30  }
0xbc: {  	s0 =	sor.u32 s3, s0;
	s1 =	sshll.u32 s1, $0x11  }
0xbd: {  	s0 =	sor.u32 s1, s0  }
0xbe: {  	s0 =	sadd.s32 $0x8F2B, s0  }
0xbf: {  	[sflag:s0] =	ssyncadd.remote.s32 $0x1  }
0xc0: {  	_ =	sfence.sel $0xFFFF  }
0xc1: {  	[dreg:$0x0] =	wrdreg $0xFFFFFFFF;
	(pc) =	sbr.abs _section_cstart, $3  }
0xc2: {  	[dreg:$0x1] =	wrdreg $0xFFFFFFFF  }
0xc3: {  	_ =	task.clear_ibuf [dreg:s7], $0x2FFFF;
	_ =	strace $0x9FFFFFFF  }
0xc4: {  	(tm) =	ssettm $0x7FFFFFFF  }
0xc5: {  	_ =	shalt  }
tec
execute0_lowered:
.L_overlay_start_1:
0x0: {  	(tag) =	ssettag $0x1  }
0x1: {  	s7 =	rddreg [dreg:$0x0]  }
0x2: {  	s0 =	rddreg [dreg:$0x1]  }
0x3: {  	s1 =	srdreg.scid;
	s3 =	rddreg [dreg:$0x2]  }
0x4: {  	s4 =	rddreg [dreg:$0x3];
	s2 =	stileid.u32;
	s5 =	simm.s32 $0x0  }
0x5: {  	s28 =	simm.s32 $0x0;
	s8 =	sand.u32 $0x1, s1;
	s10 =	smul.u32 $0x500, s2  }
0x6: {  	[smem:$0x7FF] =	sst s5;
	s15 =	sadd.s32 $0xBC00, s7;
	s23 =	smul.u32 $0x280, s2  }
0x7: {  	s16 =	sadd.s32 $0x1E00, s7;
	s30 =	smul.u32 $0x9C4, s2;
	s6 =	sshll.u32 s8, $0x4  }
0x8: {  	_ =	strace $0x80000047;
	s12 =	sshll.u32 s8, $0x7;
	s22 =	ssub.s32 $0x2, s8  }
0x9: {  	s29 =	smul.u32 $0xFFFF9C40, s8;
	s6 =	sor.u32 s2, s6;
	s10 =	sor.u32 s12, s10  }
0xa: {  	s12 =	simm.s32 $0x1;
	s26 =	sshrl.u32 s22, $0x1;
	s9 =	smul.u32 $0x9C4, s6  }
0xb: {  	s8 =	sadd.s32 s23, s3;
	s6 =	sadd.s32 $0x15A00, s7;
	s10 =	sshrl.u32 s10, $0x3  }
0xc: {  	s17 =	ssub.s32 s22, s26;
	s22 =	simm.s32 $0x100;
	s11 =	sadd.s32 $0x9C4, s9  }
0xd: {  	s26 =	simm.s32 $0x10;
	s9 =	sshrl.u32 s9, $0x5;
	s11 =	sshrl.u32 s11, $0x5  }
0xe: {  	s14 =	sadd.s32 s10, s7;
	s10 =	simm.s32 $0x1;
	s24 =	ssub.s32 s11, s9  }
0xf: {  	p0 =	sne.s32 s11, s9;
	s11 =	simm.s32 $0x1;
	s18 =	sshra.s32 s24, $0x1F  }
0x10: {  	s11 =	simm.s32 @!p0 $0x0;
	s13 =	sand.u32 $0x8000, s24;
	s19 =	sand.u32 $0x1, s24  }
0x11: {  	s11 =	sor.u32 s11, s18;
	s13 =	sshrl.u32 s13, $0xF;
	p1 =	seq.s32 s19, $0x1  }
0x12: {  	s19 =	simm.s32 $0x3;
	p6 =	sne.s32 s11, $0x1;
	s20 =	sadd.s32 s13, s24  }
0x13: {  	s13 =	sand.u32 $0xFFC0, s29;
	p0 =	por !p6, !p1;
	s11 =	sshll.u32 s20, $0x10  }
0x14: {  	s13 =	sadd.s32 s30, s13;
	s20 =	simm.s32 $0x200;
	p0 =	por !p0, !p0  }
0x15: {  	s21 =	sshra.s32 s11, $0x11;
	s18 =	sshrl.u32 s13, $0x1;
	s12 =	simm.s32 @!p0 $0x0  }
0x16: {  	s13 =	sadd.s32 $0x15C00, s14;
	s14 =	sadd.s32 $0x16600, s14;
	s7 =	ssub.s32 s21, s12  }
0x17: {  	s18 =	sand.u32 $0xFFF0, s18;
	s21 =	simm.s32 $0x80;
	s25 =	sshll.u32 s7, $0x1  }
0x18: {  	p0 =	slt.s32 s7, $0x1;
	s9 =	sadd.s32 s9, s25;
	p1 =	sle.s32 s24, s25  }
.Ltmp0:
0x19: {  	s24 =	simm.s32 $0x2;
	s31 =	sshll.u32 s9, $0x4;
	(pc) =	sbr.rel .LBB2_1-.Ltmp0, $4  }
0x1a: {  	s25 =	simm.s32 $0x20;
	s9 =	sadd.s32 s23, s4;
	s12 =	sand.u32 $0x1FFFFFF0, s31  }
0x1b: {  	s23 =	simm.s32 $0x180;
	s11 =	sadd.s32 s15, s12;
	s12 =	sadd.s32 s16, s12  }
0x1c: {  	s16 =	sadd.s32 s18, s16;
	s18 =	sadd.s32 s18, s15;
	s15 =	smax.u32 s17, $0x1  }
0x1d: {  	s16 =	sadd.s32 $0x10, s16;
	s17 =	sadd.s32 $0x10, s18;
	s18 =	simm.s32 $0x280  }
.LBB2_5:
0x1e: {  	s1 =	sadd.s32 $0xFFFFFFF0, s30;
	[sflag:s19] =	ssyncadd.s32 @p2 $0xFFFFFF80  }
0x1f: {  	[tilespmem:s5], [sflag:$0x1] =	stream.linear.gather [hbm4b:s1+s5], $0x80, $0x38;
	[tilespmem:$0xA00] =	vst v63  }
0x20: {  	s31 =	sadd.s32 $0xFFFFFFF0, s29  }
0x21: {  	[tilespmem:s21], [sflag:$0x1] =	stream.linear.gather [hbm4b:s31+s5], $0x80, $0x38;
	[tilespmem:$0xA00] =	vst v63  }
0x22: {  	_ = 	snop  }
0x23: {  	[tilespmem:s22], [sflag:$0x2] =	stream.linear.gather [hbm4b:s30+s5], $0x80, $0x38;
	[tilespmem:$0xA00] =	vst v63  }
0x24: {  	_ = 	snop  }
0x25: {  	[tilespmem:s23], [sflag:$0x2] =	stream.linear.gather [hbm4b:s29+s5], $0x80, $0x38;
	[tilespmem:$0xA00] =	vst v63  }
0x26: {  	_ =	swait.ge [sflag:s10], $0x80  }
0x27: {  	[sflag:s10] =	ssyncset.done $0x0  }
0x28: {  	[sflag:s10] =	ssyncadd.s32 $0xFFFFFF80  }
0x29: {  	_ =	swait.ge [sflag:s10], $0x80  }
0x2a: {  	[sflag:s10] =	ssyncset.done $0x0  }
0x2b: {  	[sflag:s10] =	ssyncadd.s32 $0xFFFFFF80  }
0x2c: {  	[spmem:s3] =	stream.indirect.scatter.add.f32 [tilespmem:s20], [sflag:$0x3], $0x1, s5, s21, $0xb8;
	[tilespmem:$0xA00] =	vst v63  }
0x2d: {  	_ =	swait.ge [sflag:s19], $0x80  }
0x2e: {  	[sflag:s19] =	ssyncset.done $0x0  }
0x2f: {  	[sflag:s19] =	ssyncadd.s32 $0xFFFFFF80  }
0x30: {  	[spmem:s4] =	stream.indirect.scatter.add.f32 [tilespmem:s20], [sflag:$0x3], $0x1, s21, s21, $0xb8;
	[tilespmem:$0xA00] =	vst v63  }
0x31: {  	_ =	swait.ge [sflag:s19], $0x80  }
0x32: {  	[sflag:s19] =	ssyncset.done $0x0  }
0x33: {  	[sflag:s19] =	ssyncadd.s32 $0xFFFFFF80  }
0x34: {  	_ =	swait.ge [sflag:s24], $0x80  }
0x35: {  	[sflag:s24] =	ssyncset.done $0x0  }
0x36: {  	[sflag:s24] =	ssyncadd.s32 $0xFFFFFF80  }
0x37: {  	_ =	swait.ge [sflag:s24], $0x80  }
0x38: {  	[sflag:s24] =	ssyncset.done $0x0  }
0x39: {  	[sflag:s24] =	ssyncadd.s32 $0xFFFFFF80  }
0x3a: {  	[spmem:s3] =	stream.indirect.scatter.add.f32 [tilespmem:s20], [sflag:$0x3], $0x1, s22, s21, $0xb8;
	[tilespmem:$0xA00] =	vst v63  }
0x3b: {  	_ =	swait.ge [sflag:s19], $0x80  }
0x3c: {  	[sflag:s19] =	ssyncset.done $0x0  }
0x3d: {  	[sflag:s19] =	ssyncadd.s32 $0xFFFFFF80  }
0x3e: {  	[spmem:s4] =	stream.indirect.scatter.add.f32 [tilespmem:s20], [sflag:$0x3], $0x1, s23, s21, $0xb8;
	[tilespmem:$0xA00] =	vst v63  }
0x3f: {  	_ =	swait.ge [sflag:s19], $0x80  }
0x40: {  	[sflag:s19] =	ssyncset.done $0x0  }
0x41: {  	[sflag:s19] =	ssyncadd.s32 $0xFFFFFF80  }
.LBB2_6:
0x42: {  	s1 =	simm.s32 @!p1 $0x0;
	s29 =	simm.s32 @!p1 $0x3  }
0x43: {  	[tilespmem:s1], [sflag:$0x3] =	stream.linear.gather @!p1 [hbm4b:s11+s1], $0x80, $0x38;
	[tilespmem:$0xA00] =	vst v63  }
0x44: {  	_ =	swait.ge @!p1 [sflag:s29], $0x80  }
0x45: {  	[sflag:s29] =	ssyncset.done @!p1 $0x0  }
0x46: {  	s30 =	simm.s32 @!p1 $0x80;
	s31 =	simm.s32 @!p1 $0x200;
	[sflag:s29] =	ssyncadd.s32 @!p1 $0xFFFFFF80  }
0x47: {  	[spmem:s3] =	stream.indirect.scatter.add.f32 @!p1 [tilespmem:s31], [sflag:$0x3], $0x1, s1, s30, $0xb8;
	[tilespmem:$0xA00] =	vst v63  }
0x48: {  	_ =	swait.ge @!p1 [sflag:s29], $0x80  }
0x49: {  	[sflag:s29] =	ssyncset.done @!p1 $0x0  }
0x4a: {  	[sflag:s29] =	ssyncadd.s32 @!p1 $0xFFFFFF80  }
0x4b: {  	[tilespmem:s30], [sflag:$0x3] =	stream.linear.gather @!p1 [hbm4b:s12+s1], $0x80, $0x38;
	[tilespmem:$0xA00] =	vst v63  }
0x4c: {  	_ =	swait.ge @!p1 [sflag:s29], $0x80  }
0x4d: {  	[sflag:s29] =	ssyncset.done @!p1 $0x0  }
0x4e: {  	[sflag:s29] =	ssyncadd.s32 @!p1 $0xFFFFFF80  }
0x4f: {  	[spmem:s4] =	stream.indirect.scatter.add.f32 @!p1 [tilespmem:s31], [sflag:$0x3], $0x1, s30, s30, $0xb8;
	[tilespmem:$0xA00] =	vst v63  }
0x50: {  	_ =	swait.ge @!p1 [sflag:s29], $0x80  }
0x51: {  	[sflag:s29] =	ssyncset.done @!p1 $0x0  }
0x52: {  	[sflag:s29] =	ssyncadd.s32 @!p1 $0xFFFFFF80;
	s29 =	sshll.u32 s2, $0x6  }
0x53: {  	s30 =	sshrl.u32 s8, $0x3;
	[bflag:$0x0] =	sbarrier.arrive $0xFFFF;
	s1 =	sor.u32 $0x1C03, s29  }
0x54: {  	[hbm:s13@s25], [sflag:s1] =	dma.strided [spmem:s30@s26], $0x50, s10, $0x10   }
0x55: {  	s28 =	sadd.s32 $0x1, s28;
	_ =	swait.ge [sflag:s19], $0x50  }
0x56: {  	p2 =	sne.s32 s28, s15;
	[sflag:s19] =	ssyncset.done $0x0  }
.Ltmp1:
0x57: {  	s31 =	sshrl.u32 s9, $0x3;
	[sflag:s19] =	ssyncadd.s32 $0xFFFFFFB0;
	(pc) =	sbr.rel @!p2 .LBB2_7-.Ltmp1, $4  }
0x58: {  	[hbm:s14@s25], [sflag:s1] =	dma.strided [spmem:s31@s26], $0x50, s10, $0x10   }
0x59: {  	_ =	swait.ge [sflag:s19], $0x50  }
0x5a: {  	[sflag:s19] =	ssyncset.done $0x0  }
0x5b: {  	[sflag:s19] =	ssyncadd.s32 $0xFFFFFFB0  }
.LBB2_1:
0x5c: {  	[tilespmem:s18], [sflag:$0x3] =	stream.linear.gather [hbm4b:s6+s5], $0x280, $0x38;
	[tilespmem:$0xA00] =	vst v63  }
0x5d: {  	_ =	swait.ge [sflag:s19], $0x280  }
0x5e: {  	[sflag:s19] =	ssyncset.done $0x0  }
0x5f: {  	[sflag:s19] =	ssyncadd.s32 $0xFFFFFD80  }
0x60: {  	[spmem:s8] =	stream.linear.scatter [tilespmem:s18], [sflag:$0x3], $0x280, $0x38;
	[tilespmem:$0xA00] =	vst v63  }
0x61: {  	_ =	swait.ge [sflag:s19], $0x280  }
0x62: {  	[sflag:s19] =	ssyncset.done $0x0  }
0x63: {  	[sflag:s19] =	ssyncadd.s32 $0xFFFFFD80  }
0x64: {  	[spmem:s9] =	stream.linear.scatter [tilespmem:s18], [sflag:$0x3], $0x280, $0x38;
	[tilespmem:$0xA00] =	vst v63  }
0x65: {  	_ =	swait.ge [sflag:s19], $0x280  }
0x66: {  	[sflag:s19] =	ssyncset.done $0x0  }
0x67: {  	[sflag:s19] =	ssyncadd.s32 $0xFFFFFD80  }
0x68: {  	[tilespmem:s20], [sflag:$0x3] =	stream.linear.gather [hbm4b:s0+s5], $0x80, $0x38;
	[tilespmem:$0xA00] =	vst v63  }
.Ltmp2:
0x69: {  	_ =	swait.ge [sflag:s19], $0x80;
	(pc) =	sbr.rel @p0 .LBB2_6-.Ltmp2, $3  }
0x6a: {  	[sflag:s19] =	ssyncset.done $0x0  }
0x6b: {  	[sflag:s19] =	ssyncadd.s32 $0xFFFFFF80  }
0x6c: {  	[bflag:$0x0] =	sbarrier.arrive $0xFFFF;
	_ =	sdelay $0x1  }
0x6d: {  	s31 =	sadd.s32 $0x1, s5  }
0x6e: {  	p3 =	slt.s32 s31, s7  }
.Ltmp3:
0x6f: {  	_ = 	snop;
	(pc) =	sbr.rel @!p3 .LBB2_5-.Ltmp3, $2  }
0x70: {  	_ =	sdelay $0x2  }
0x71: {  	p2 =	por $0x0, $0x0;
	s30 =	smov.u32 s17;
	s29 =	smov.u32 s16  }
0x72: {  	s29 =	sadd.s32 $0xFFFFFFF0, s17  }
0x73: {  	[tilespmem:s5], [sflag:$0x1] =	stream.linear.gather [hbm4b:s29+s5], $0x80, $0x38;
	[tilespmem:$0xA00] =	vst v63  }
0x74: {  	s29 =	sadd.s32 $0xFFFFFFF0, s16  }
0x75: {  	[tilespmem:s21], [sflag:$0x1] =	stream.linear.gather [hbm4b:s29+s5], $0x80, $0x38;
	[tilespmem:$0xA00] =	vst v63  }
0x76: {  	_ = 	snop  }
0x77: {  	[tilespmem:s22], [sflag:$0x2] =	stream.linear.gather [hbm4b:s17+s5], $0x80, $0x38;
	[tilespmem:$0xA00] =	vst v63  }
0x78: {  	_ = 	snop  }
0x79: {  	[tilespmem:s23], [sflag:$0x2] =	stream.linear.gather [hbm4b:s16+s5], $0x80, $0x38;
	[tilespmem:$0xA00] =	vst v63  }
0x7a: {  	_ =	swait.ge [sflag:s10], $0x80  }
0x7b: {  	[sflag:s10] =	ssyncset.done $0x0  }
0x7c: {  	[sflag:s10] =	ssyncadd.s32 $0xFFFFFF80  }
0x7d: {  	_ =	swait.ge [sflag:s10], $0x80  }
0x7e: {  	[sflag:s10] =	ssyncset.done $0x0  }
0x7f: {  	[sflag:s10] =	ssyncadd.s32 $0xFFFFFF80  }
0x80: {  	[spmem:s3] =	stream.indirect.scatter.add.f32 [tilespmem:s20], [sflag:$0x3], $0x1, s5, s21, $0xb8;
	[tilespmem:$0xA00] =	vst v63  }
0x81: {  	_ =	swait.ge [sflag:s19], $0x80  }
0x82: {  	[sflag:s19] =	ssyncset.done $0x0  }
0x83: {  	[sflag:s19] =	ssyncadd.s32 $0xFFFFFF80  }
0x84: {  	[spmem:s4] =	stream.indirect.scatter.add.f32 [tilespmem:s20], [sflag:$0x3], $0x1, s21, s21, $0xb8;
	[tilespmem:$0xA00] =	vst v63  }
0x85: {  	_ =	swait.ge [sflag:s19], $0x80  }
0x86: {  	[sflag:s19] =	ssyncset.done $0x0  }
0x87: {  	[sflag:s19] =	ssyncadd.s32 $0xFFFFFF80  }
0x88: {  	_ =	swait.ge [sflag:s24], $0x80  }
0x89: {  	[sflag:s24] =	ssyncset.done $0x0  }
0x8a: {  	[sflag:s24] =	ssyncadd.s32 $0xFFFFFF80  }
0x8b: {  	_ =	swait.ge [sflag:s24], $0x80  }
0x8c: {  	[sflag:s24] =	ssyncset.done $0x0  }
0x8d: {  	s31 =	sadd.s32 $0x1, s31;
	[sflag:s24] =	ssyncadd.s32 $0xFFFFFF80  }
0x8e: {  	[spmem:s3] =	stream.indirect.scatter.add.f32 [tilespmem:s20], [sflag:$0x3], $0x1, s22, s21, $0xb8;
	[tilespmem:$0xA00] =	vst v63  }
0x8f: {  	p3 =	slt.s32 s31, s7;
	_ =	swait.ge [sflag:s19], $0x80  }
.Ltmp4:
0x90: {  	[sflag:s19] =	ssyncset.done $0x0;
	(pc) =	sbr.rel @!p3 .LBB2_5-.Ltmp4, $4  }
0x91: {  	[sflag:s19] =	ssyncadd.s32 $0xFFFFFF80  }
0x92: {  	[spmem:s4] =	stream.indirect.scatter.add.f32 [tilespmem:s20], [sflag:$0x3], $0x1, s23, s21, $0xb8;
	[tilespmem:$0xA00] =	vst v63  }
0x93: {  	s30 =	sadd.s32 $0x20, s17;
	_ =	swait.ge [sflag:s19], $0x80  }
0x94: {  	p2 =	por $0x1, $0x1;
	s29 =	sadd.s32 $0x20, s16;
	[sflag:s19] =	ssyncset.done $0x0  }
.LBB2_4:
0x95: {  	s31 =	sadd.s32 $0x1, s31;
	s1 =	sadd.s32 $0xFFFFFFF0, s30;
	[sflag:s19] =	ssyncadd.s32 $0xFFFFFF80  }
0x96: {  	[tilespmem:s5], [sflag:$0x1] =	stream.linear.gather [hbm4b:s1+s5], $0x80, $0x38;
	[tilespmem:$0xA00] =	vst v63  }
0x97: {  	p3 =	slt.s32 s31, s7;
	s1 =	sadd.s32 $0xFFFFFFF0, s29  }
0x98: {  	[tilespmem:s21], [sflag:$0x1] =	stream.linear.gather [hbm4b:s1+s5], $0x80, $0x38;
	[tilespmem:$0xA00] =	vst v63  }
0x99: {  	_ = 	snop  }
0x9a: {  	[tilespmem:s22], [sflag:$0x2] =	stream.linear.gather [hbm4b:s30+s5], $0x80, $0x38;
	[tilespmem:$0xA00] =	vst v63  }
0x9b: {  	_ = 	snop  }
0x9c: {  	[tilespmem:s23], [sflag:$0x2] =	stream.linear.gather [hbm4b:s29+s5], $0x80, $0x38;
	[tilespmem:$0xA00] =	vst v63  }
0x9d: {  	_ =	swait.ge [sflag:s10], $0x80  }
0x9e: {  	[sflag:s10] =	ssyncset.done $0x0  }
0x9f: {  	[sflag:s10] =	ssyncadd.s32 $0xFFFFFF80  }
0xa0: {  	_ =	swait.ge [sflag:s10], $0x80  }
0xa1: {  	[sflag:s10] =	ssyncset.done $0x0  }
0xa2: {  	[sflag:s10] =	ssyncadd.s32 $0xFFFFFF80  }
0xa3: {  	[spmem:s3] =	stream.indirect.scatter.add.f32 [tilespmem:s20], [sflag:$0x3], $0x1, s5, s21, $0xb8;
	[tilespmem:$0xA00] =	vst v63  }
0xa4: {  	_ =	swait.ge [sflag:s19], $0x80  }
0xa5: {  	[sflag:s19] =	ssyncset.done $0x0  }
0xa6: {  	[sflag:s19] =	ssyncadd.s32 $0xFFFFFF80  }
0xa7: {  	[spmem:s4] =	stream.indirect.scatter.add.f32 [tilespmem:s20], [sflag:$0x3], $0x1, s21, s21, $0xb8;
	[tilespmem:$0xA00] =	vst v63  }
0xa8: {  	_ =	swait.ge [sflag:s19], $0x80  }
0xa9: {  	[sflag:s19] =	ssyncset.done $0x0  }
0xaa: {  	[sflag:s19] =	ssyncadd.s32 $0xFFFFFF80  }
0xab: {  	_ =	swait.ge [sflag:s24], $0x80  }
0xac: {  	[sflag:s24] =	ssyncset.done $0x0  }
0xad: {  	[sflag:s24] =	ssyncadd.s32 $0xFFFFFF80  }
0xae: {  	_ =	swait.ge [sflag:s24], $0x80  }
0xaf: {  	[sflag:s24] =	ssyncset.done $0x0  }
0xb0: {  	[sflag:s24] =	ssyncadd.s32 $0xFFFFFF80  }
0xb1: {  	[spmem:s3] =	stream.indirect.scatter.add.f32 [tilespmem:s20], [sflag:$0x3], $0x1, s22, s21, $0xb8;
	[tilespmem:$0xA00] =	vst v63  }
0xb2: {  	_ =	swait.ge [sflag:s19], $0x80  }
.Ltmp5:
0xb3: {  	[sflag:s19] =	ssyncset.done $0x0;
	(pc) =	sbr.rel @p3 .LBB2_4-.Ltmp5, $4  }
0xb4: {  	[sflag:s19] =	ssyncadd.s32 $0xFFFFFF80  }
0xb5: {  	[spmem:s4] =	stream.indirect.scatter.add.f32 [tilespmem:s20], [sflag:$0x3], $0x1, s23, s21, $0xb8;
	[tilespmem:$0xA00] =	vst v63  }
0xb6: {  	_ =	swait.ge [sflag:s19], $0x80  }
0xb7: {  	s30 =	sadd.s32 $0x20, s30;
	s29 =	sadd.s32 $0x20, s29;
	[sflag:s19] =	ssyncset.done $0x0  }
.Ltmp6:
0xb8: {  	_ = 	snop;
	(pc) =	sbr.rel .LBB2_5-.Ltmp6, $1  }
0xb9: {  	_ =	sdelay $0x3  }
.LBB2_7:
0xba: {  	_ =	sfence.sel $0x180000  }
0xbb: {  	[bflag:$0x0] =	sbarrier.arrive $0xFFFF  }
0xbc: {  	_ =	strace $0x90000047  }
0xbd: {  	[bflag:$0x2] =	sbarrier.arrive $0xFFFF  }
0xbe: {  	p0 =	sne.s32 s2, $0x0;
	s0 =	rddreg [dreg:$0x4]  }
0xbf: {  	s0 =	sadd.s32 @!p0 $0x100000, s0  }
0xc0: {  	[sflag:s0] =	ssyncadd.tile.s32 @!p0 $0x1;
	_ =	shalt  }
.Lfunc_end2:
_tile_overlayer_lowered:
.L_overlay_start_2:
0xc1: {  	(tag) =	ssettag $0x2  }
0xc2: {  	s0 =	rddreg [dreg:$0x0];
	s2 =	stileid.u32  }
0xc3: {  	s1 =	rddreg [dreg:$0x1];
	p0 =	sne.s32 s2, $0x0  }
0xc4: {  	s3 =	rddreg [dreg:$0x2];
	[bflag:$0x3] =	sbarrier.arrive $0xFFFF;
	s2 =	simm.s32 @!p0 $0x1C03  }
0xc5: {  	[timem:s3], [sflag:s2] =	dma.local @!p0 [hbm:s0], s1  }
0xc6: {  	s0 =	simm.s32 @!p0 $0x3  }
0xc7: {  	_ =	swait.ge @!p0 [sflag:s0], s1  }
0xc8: {  	s1 =	ssub.s32 @!p0 $0x0, s1;
	[sflag:s0] =	ssyncset.done @!p0 $0x0  }
0xc9: {  	[sflag:s0] =	ssyncadd.s32 @!p0 s1  }
0xca: {  	[bflag:$0x3] =	sbarrier.arrive $0xFFFF  }
0xcb: {  	_ =	shalt  }

// kernel: kernel.9.cloned.1.call-start
scs
__scs_entry_jumppad:
0x0: {  	(pc) =	sbr.rel $0x88, $3  }
0x1: {  	(tag) =	ssettag $0x0;
	lr =	simm.s32 $0x1  }
0x2: {  	[smem:$0x3F99] =	sst lr;
	_ =	strace $0xD0000000  }
0x3: {  	_ = 	snop  }
0x4: {  	_ = 	snop  }
0x5: {  	_ = 	snop  }
0x6: {  	_ = 	snop  }
0x7: {  	_ = 	snop  }
__scs_overlays_trampoline_lowered:
0x8: {  	[smem:$0x3FA8] =	sst s0  }
0x9: {  	[smem:$0x3FA9] =	sst s1  }
0xa: {  	[smem:$0x3FAA] =	sst s2  }
0xb: {  	[smem:$0x3FAB] =	sst s3  }
0xc: {  	[smem:$0x3FAC] =	sst s4  }
0xd: {  	[smem:$0x3FAD] =	sst s5  }
0xe: {  	[smem:$0x3FAE] =	sst s6  }
0xf: {  	[smem:$0x3FAF] =	sst s7  }
0x10: {  	[smem:$0x3FB0] =	sst s8  }
0x11: {  	[smem:$0x3FB1] =	sst s9;
	s0 =	simm.s32 @!p0 $0x0  }
0x12: {  	s1 =	sld [smem:$0x3F97];
	s0 =	simm.s32 @p0 $0x1  }
0x13: {  	[smem:$0x3FB2] =	sst s0;
	s0 =	simm.s32 @!p1 $0x0  }
0x14: {  	s2 =	sld [smem:$0x3F96];
	s0 =	simm.s32 @p1 $0x1  }
0x15: {  	[smem:$0x3FB3] =	sst s0;
	s0 =	simm.s32 @!p2 $0x0  }
0x16: {  	s3 =	sld [smem:$0x3FDB];
	s0 =	simm.s32 @p2 $0x1  }
0x17: {  	s4 =	simm.s32 $0x1BF5;
	[smem:$0x3FB5] =	sst s0  }
0x18: {  	s0 =	sld [smem:$0x3F98];
	_ =	swait.ge [sflag:s4], $0x0  }
0x19: {  	s7 =	sld [smem:$0x3F99]  }
0x1a: {  	s8 =	sadd.s32 $0xFFFFE003, lr  }
0x1b: {  	s9 =	sadd.s32 $0xFFFFFEF7, lr;
	s5 =	simm.s32 $0xFFFFFFFF;
	p2 =	slt.u32 s8, $0xFFFFF086  }
0x1c: {  	p1 =	slt.u32 s9, $0xF7A;
	s5 =	simm.s32 @!p2 $0x0  }
0x1d: {  	s5 =	simm.s32 @p1 $0x1;
	p0 =	seq.s32 s7, s2  }
0x1e: {  	s7 =	smul.u32 @!p0 $0xF7A, s2;
	p2 =	seq.s32 @!p0 s5, $0x0  }
0x1f: {  	s9 =	smul.u32 $0xF7A, s1;
	s8 =	simm.s32 @!p0 $0x1BF5;
	p2 =	por !p2, p0  }
0x20: {  	[sflag:s8] =	ssyncset.s32 @!p0 $0xFFFFF086;
	s6 =	sadd.s32 @!p0 s3, s7;
	s7 =	simm.s32 @!p0 $0x108  }
0x21: {  	s3 =	sadd.s32 s3, s9;
	s6 =	sadd.s32 @!p0 $0x88, s6;
	s7 =	simm.s32 @p2 $0x1082  }
0x22: {  	[simem:s7], [sflag:s8] =	dma.local @!p0 [hbm:s6], $0xF7A  }
0x23: {  	s9 =	sor.u32 $0xD0000000, s2;
	s6 =	simm.s32 $0x108;
	_ =	swait.ge @!p0 [sflag:s8], $0x0  }
0x24: {  	s3 =	sadd.s32 $0x88, s3;
	s6 =	simm.s32 @!p1 $0x1082;
	[sflag:s4] =	ssyncset.s32 $0xFFFFF086  }
0x25: {  	[simem:s6], [sflag:s4] =	dma.local [hbm:s3], $0xF7A  }
0x26: {  	[smem:$0x3F99] =	sst s1;
	(tag) =	ssettag s2;
	_ =	strace s9  }
0x27: {  	s1 =	sld [smem:$0x3FA9]  }
0x28: {  	s2 =	sld [smem:$0x3FAA]  }
0x29: {  	s4 =	sld [smem:$0x3FAC]  }
0x2a: {  	p0 =	seq.s32 s5, $0x0;
	s5 =	sld [smem:$0x3FAD]  }
0x2b: {  	s6 =	sld [smem:$0x3FAE]  }
0x2c: {  	s7 =	sld [smem:$0x3FAF]  }
0x2d: {  	s3 =	simm.s32 $0x108;
	s8 =	sld [smem:$0x3FB0]  }
0x2e: {  	s3 =	simm.s32 @!p0 $0x1082;
	s9 =	sld [smem:$0x3FB1]  }
0x2f: {  	lr =	sadd.s32 s0, s3;
	s0 =	sld [smem:$0x3FA8]  }
0x30: {  	s3 =	sld [smem:$0x3FAB]  }
0x31: {  	[smem:$0x3FB4] =	sst s10  }
0x32: {  	s10 =	sld [smem:$0x3FB2];
	_ =	sdelay $0x3  }
0x33: {  	p0 =	seq.s32 s10, $0x1;
	s10 =	sld [smem:$0x3FB4];
	_ =	sdelay $0x3  }
0x34: {  	[smem:$0x3FB4] =	sst s10  }
0x35: {  	s10 =	sld [smem:$0x3FB3];
	_ =	sdelay $0x3  }
0x36: {  	p1 =	seq.s32 s10, $0x1;
	s10 =	sld [smem:$0x3FB4];
	_ =	sdelay $0x3  }
0x37: {  	[smem:$0x3FB4] =	sst s10  }
0x38: {  	s10 =	sld [smem:$0x3FB5]  }
0x39: {  	_ = 	snop;
	(pc) =	sbr.ind lr, $3  }
0x3a: {  	_ = 	snop  }
0x3b: {  	_ = 	snop  }
0x3c: {  	p2 =	seq.s32 s10, $0x1;
	s10 =	sld [smem:$0x3FB4]  }
0x3d: {  	_ =	shalt  }
0x3e: {  	_ =	shalt  }
0x3f: {  	_ =	shalt  }
0x40: {  	_ =	shalt  }
0x41: {  	_ =	shalt  }
0x42: {  	_ =	shalt  }
0x43: {  	_ =	shalt  }
0x44: {  	_ =	shalt  }
0x45: {  	_ =	shalt  }
0x46: {  	_ =	shalt  }
0x47: {  	_ =	shalt  }
0x48: {  	_ =	shalt  }
0x49: {  	_ =	shalt  }
0x4a: {  	_ =	shalt  }
0x4b: {  	_ =	shalt  }
0x4c: {  	_ =	shalt  }
0x4d: {  	_ =	shalt  }
0x4e: {  	_ =	shalt  }
0x4f: {  	_ =	shalt  }
0x50: {  	_ =	shalt  }
0x51: {  	_ =	shalt  }
0x52: {  	_ =	shalt  }
0x53: {  	_ =	shalt  }
0x54: {  	_ =	shalt  }
0x55: {  	_ =	shalt  }
0x56: {  	_ =	shalt  }
0x57: {  	_ =	shalt  }
0x58: {  	_ =	shalt  }
0x59: {  	_ =	shalt  }
0x5a: {  	_ =	shalt  }
0x5b: {  	_ =	shalt  }
0x5c: {  	_ =	shalt  }
0x5d: {  	_ =	shalt  }
0x5e: {  	_ =	shalt  }
0x5f: {  	_ =	shalt  }
0x60: {  	_ =	shalt  }
0x61: {  	_ =	shalt  }
0x62: {  	_ =	shalt  }
0x63: {  	_ =	shalt  }
0x64: {  	_ =	shalt  }
0x65: {  	_ =	shalt  }
0x66: {  	_ =	shalt  }
0x67: {  	_ =	shalt  }
0x68: {  	_ =	shalt  }
0x69: {  	_ =	shalt  }
0x6a: {  	_ =	shalt  }
0x6b: {  	_ =	shalt  }
0x6c: {  	_ =	shalt  }
0x6d: {  	_ =	shalt  }
0x6e: {  	_ =	shalt  }
0x6f: {  	_ =	shalt  }
0x70: {  	_ =	shalt  }
0x71: {  	_ =	shalt  }
0x72: {  	_ =	shalt  }
0x73: {  	_ =	shalt  }
0x74: {  	_ =	shalt  }
0x75: {  	_ =	shalt  }
0x76: {  	_ =	shalt  }
0x77: {  	_ =	shalt  }
0x78: {  	_ =	shalt  }
0x79: {  	_ =	shalt  }
0x7a: {  	_ =	shalt  }
0x7b: {  	_ =	shalt  }
0x7c: {  	_ =	shalt  }
0x7d: {  	_ =	shalt  }
0x7e: {  	_ =	shalt  }
0x7f: {  	_ =	shalt  }
0x80: {  	_ =	shalt  }
0x81: {  	_ =	shalt  }
0x82: {  	_ =	shalt  }
0x83: {  	_ =	shalt  }
0x84: {  	_ =	shalt  }
0x85: {  	_ =	shalt  }
0x86: {  	_ =	shalt  }
0x87: {  	_ =	shalt  }
.Lfunc_end0:
.L_simem_size_0:
called_computation.1_lowered:
.L_overlay_start_0:
0x88: {  	s2 =	sld [smem:$0x3FD9]  }
0x89: {  	s3 =	sld [smem:$0x3FFE];
	_ =	sdelay $0x1  }
0x8a: {  	s1 =	srdreg.scid  }
0x8b: {  	s0 =	sand.u32 $0x1, s1  }
0x8c: {  	s16 =	sshll.u32 s0, $0xA;
	s2 =	sadd.s32 s3, s2  }
0x8d: {  	s2 =	sadd.s32 s2, s16  }
0x8e: {  	[smem:$0x3FC0] =	sst s2  }
0x8f: {  	_ = 	snop  }
0x90: {  	(tm) =	ssettm $0x1  }
0x91: {  	s17 =	sld [smem:$0x3FFB];
	_ =	sdelay $0x3  }
0x92: {  	_ =	strace s17  }
0x93: {  	s2 =	sld [smem:$0x3FFC];
	_ =	sdelay $0x3  }
0x94: {  	_ =	strace s2  }
0x95: {  	s2 =	sld [smem:$0x3FFD];
	_ =	sdelay $0x3  }
0x96: {  	_ =	strace s2  }
0x97: {  	_ =	strace $0x8FFFFFFF  }
0x98: {  	s18 =	sld [smem:$0x3FDB];
	_ =	sdelay $0x1  }
0x99: {  	s19 =	simm.s32 $_scs_section_size  }
0x9a: {  	s4 =	simm.s32 $_size__tile_overlayer_lowered;
	s5 =	simm.s32 $_tile_overlayer_lowered  }
0x9b: {  	s22 =	simm.s32 $0x1BFF;
	s21 =	sshll.u32 s5, $0x1;
	s2 =	sadd.s32 s19, s18  }
0x9c: {  	s6 =	simm.s32 $0x0;
	s20 =	sshll.u32 s4, $0x1;
	s4 =	sadd.s32 s21, s2  }
0x9d: {  	[timem:s6], [sflag:s22] =	dma.local [hbm:s4], s20  }
0x9e: {  	_ =	swait.ge [sflag:s22], s20  }
0x9f: {  	s3 =	ssub.s32 $0x0, s20;
	[sflag:s22] =	ssyncset.done $0x0  }
0xa0: {  	[sflag:s22] =	ssyncadd.s32 s3;
	_ =	sdelay $0x1  }
0xa1: {  	s23 =	simm.s32 $0x1B8B  }
0xa2: {  	_ =	swait.ge [sflag:s23], $0x1  }
0xa3: {  	[sflag:s23] =	ssyncset.done $0x0  }
0xa4: {  	s25 =	simm.s32 $0x1B8E;
	s24 =	sld [smem:$0x3FFE];
	[sflag:s23] =	ssyncadd.s32 $0xFFFFFFFF  }
0xa5: {  	s26 =	simm.s32 $execute0_lowered;
	[smem:$0x3FD2] =	sst s25  }
0xa6: {  	s4 =	sshll.u32 s26, $0x1;
	_ =	strace $0x80000049;
	[dreg:$0x1] =	wrdreg $0xFFFFFFFF  }
0xa7: {  	s28 =	simm.s32 $_size_execute0_lowered;
	s2 =	sadd.s32 s2, s4;
	[dreg:$0x0] =	wrdreg $0x0  }
0xa8: {  	s4 =	sshll.u32 s28, $0x1;
	[dreg:$0x2] =	wrdreg s2  }
0xa9: {  	[dreg:$0x3] =	wrdreg s4  }
0xaa: {  	[dreg:$0x4] =	wrdreg $0xC0  }
0xab: {  	_ =	task [dreg:s6], $0x5FFFF  }
0xac: {  	[dreg:$0x1] =	wrdreg $0xFFFFFFFF  }
0xad: {  	[dreg:$0x0] =	wrdreg $0x60  }
0xae: {  	[dreg:$0x2] =	wrdreg s24  }
0xaf: {  	[dreg:$0x3] =	wrdreg $0x95800  }
0xb0: {  	[dreg:$0x4] =	wrdreg $0x1D5800  }
0xb1: {  	[dreg:$0x5] =	wrdreg $0x9  }
0xb2: {  	_ =	task.clear_ibuf [dreg:s6], $0x6FFFF;
	_ =	strace $0x90000049  }
0xb3: {  	s29 =	simm.s32 $0x9;
	_ =	strace $0x8000004B  }
0xb4: {  	_ =	swait.ge [sflag:s29], $0x1  }
0xb5: {  	[sflag:s29] =	ssyncadd.s32 $0xFFFFFFFF  }
0xb6: {  	_ =	strace $0x9000004B  }
0xb7: {  	_ =	sfence  }
0xb8: {  	s30 =	sld [smem:$0x0];
	_ =	sdelay $0x2  }
0xb9: {  	s31 =	sshll.u32 s1, $0xD;
	s1 =	sshrl.u32 s1, $0x2  }
0xba: {  	s3 =	sand.u32 $0x4000, s31;
	s1 =	sadd.s32 s1, s30  }
0xbb: {  	s0 =	sor.u32 s3, s0;
	s1 =	sshll.u32 s1, $0x11  }
0xbc: {  	s0 =	sor.u32 s1, s0  }
0xbd: {  	s0 =	sadd.s32 $0x8F2B, s0  }
0xbe: {  	[sflag:s0] =	ssyncadd.remote.s32 $0x1  }
0xbf: {  	_ =	sfence.sel $0xFFFF  }
0xc0: {  	[dreg:$0x0] =	wrdreg $0xFFFFFFFF;
	(pc) =	sbr.abs _section_cstart, $3  }
0xc1: {  	[dreg:$0x1] =	wrdreg $0xFFFFFFFF  }
0xc2: {  	_ =	task.clear_ibuf [dreg:s6], $0x2FFFF;
	_ =	strace $0x9FFFFFFF  }
0xc3: {  	(tm) =	ssettm $0x7FFFFFFF  }
tec
execute0_lowered:
.L_overlay_start_1:
0x0: {  	(tag) =	ssettag $0x1  }
0x1: {  	s0 =	rddreg [dreg:$0x0]  }
0x2: {  	s1 =	rddreg [dreg:$0x1]  }
0x3: {  	s2 =	rddreg [dreg:$0x2]  }
0x4: {  	s3 =	simm.s32 $0x0;
	s6 =	srdreg.scid;
	s17 =	stileid.u32  }
0x5: {  	s30 =	simm.s32 $0x7;
	s31 =	simm.s32 $0x4;
	s8 =	smul.u32 $0x500, s17  }
0x6: {  	[smem:$0x7FF] =	sst s3;
	s4 =	sadd.s32 $0xBC00, s0;
	s12 =	smul.u32 $0x280, s17  }
0x7: {  	s5 =	sadd.s32 $0x1E00, s0;
	s7 =	sadd.s32 $0x3F400, s0;
	s13 =	smul.u32 $0x50000, s17  }
0x8: {  	s6 =	sand.u32 $0x1, s6;
	s15 =	smul.u32 $0x14000, s17;
	_ =	strace $0x8000004A  }
0x9: {  	s9 =	sshll.u32 s6, $0x7;
	s10 =	sshll.u32 s6, $0x4;
	s11 =	ssub.s32 $0x2, s6  }
0xa: {  	s14 =	smul.u32 $0x140000, s6;
	s10 =	sor.u32 s17, s10;
	s8 =	sor.u32 s9, s8  }
0xb: {  	s22 =	sshrl.u32 s11, $0x1;
	s23 =	sshll.u32 s12, $0x7;
	s28 =	sadd.s32 s12, s2  }
0xc: {  	s12 =	simm.s32 $0x2;
	s10 =	smul.u32 $0x2710, s10;
	s9 =	ssub.s32 s11, s22  }
0xd: {  	s18 =	sadd.s32 $0x4000, s23;
	s19 =	sadd.s32 $0x8000, s23;
	s20 =	sadd.s32 $0xC000, s23  }
0xe: {  	s21 =	sadd.s32 $0x10000, s23;
	s24 =	sadd.s32 s15, s14;
	[dreg:$0x11] =	wrdreg s28  }
0xf: {  	s25 =	sadd.s32 s14, s18;
	s26 =	sadd.s32 s14, s19;
	s23 =	sadd.s32 s14, s20  }
0x10: {  	s14 =	sadd.s32 s14, s21;
	s29 =	sadd.s32 s20, s1;
	s10 =	sshrl.u32 s10, $0x3  }
0x11: {  	s11 =	sshrl.u32 s25, $0x3;
	s22 =	sshrl.u32 s26, $0x3;
	s25 =	smul.u32 $0x2710, s17  }
0x12: {  	s26 =	sshrl.u32 s14, $0x3;
	[dreg:$0xf] =	wrdreg s29;
	s16 =	sadd.s32 $0x4D8, s10  }
0x13: {  	s10 =	sshrl.u32 s24, $0x3;
	s11 =	sadd.s32 s7, s11;
	s24 =	smul.u32 $0x27100, s6  }
0x14: {  	s6 =	smul.u32 $0x4E20, s6;
	s10 =	sadd.s32 s7, s10;
	[dreg:$0x5] =	wrdreg s11  }
0x15: {  	s14 =	smul.u32 $0x4E2, s17;
	[dreg:$0x4] =	wrdreg s10;
	s10 =	sadd.s32 s7, s22  }
0x16: {  	s17 =	sadd.s32 s25, s24;
	s22 =	sadd.s32 s6, s4;
	s6 =	sadd.s32 s6, s5  }
0x17: {  	s25 =	sadd.s32 s4, s16;
	[dreg:$0x6] =	wrdreg s10;
	s10 =	sshrl.u32 s23, $0x3  }
0x18: {  	s23 =	sadd.s32 $0x50, s17;
	s11 =	sadd.s32 s14, s6;
	[dreg:$0x9] =	wrdreg s25  }
0x19: {  	s17 =	sadd.s32 $0x3DC00, s0;
	s25 =	smax.u32 s9, $0x1;
	s6 =	simm.s32 $0x1  }
0x1a: {  	s9 =	simm.s32 $0x5200;
	s10 =	sadd.s32 s7, s10;
	s7 =	sadd.s32 s7, s26  }
0x1b: {  	s24 =	sshrl.u32 s23, $0x3;
	s26 =	sadd.s32 s5, s16;
	[dreg:$0x13] =	wrdreg s25  }
0x1c: {  	s16 =	sadd.s32 $0x15C00, s0;
	s23 =	sadd.s32 s19, s1;
	[dreg:$0x7] =	wrdreg s10  }
0x1d: {  	s19 =	simm.s32 $0x3;
	[dreg:$0x8] =	wrdreg s7;
	s10 =	sadd.s32 s14, s22  }
0x1e: {  	[dreg:$0xa] =	wrdreg s26;
	s14 =	sadd.s32 s24, s5;
	s15 =	sadd.s32 s24, s4  }
0x1f: {  	s7 =	sshrl.u32 s8, $0x3;
	s8 =	sshrl.u32 s13, $0x2;
	s13 =	sadd.s32 $0x3E200, s0  }
0x20: {  	s22 =	sadd.s32 s18, s1;
	s26 =	sadd.s32 s21, s1;
	[dreg:$0xe] =	wrdreg s23  }
0x21: {  	s5 =	simm.s32 $0x180;
	s18 =	simm.s32 $0x5280;
	[dreg:$0xb] =	wrdreg s13  }
0x22: {  	s4 =	sadd.s32 s7, s0;
	s0 =	sadd.s32 $0x15A00, s0;
	[dreg:$0xd] =	wrdreg s22  }
0x23: {  	s24 =	sadd.s32 s8, s1;
	s7 =	simm.s32 $0x50;
	[dreg:$0x10] =	wrdreg s26  }
0x24: {  	s8 =	simm.s32 $0x200;
	s13 =	simm.s32 $0x2A00;
	[dreg:$0xc] =	wrdreg s0  }
0x25: {  	s21 =	sadd.s32 $0x3EA00, s4;
	s0 =	simm.s32 $0x80;
	[dreg:$0x15] =	wrdreg s24  }
0x26: {  	s4 =	simm.s32 $0x100;
	[dreg:$0x12] =	wrdreg s21;
	s21 =	simm.s32 $0x0  }
.LBB2_1:
0x27: {  	[dreg:$0x14] =	wrdreg s21  }
0x28: {  	s25 =	rddreg [dreg:$0xb];
	s20 =	simm.s32 $0x5300  }
0x29: {  	[tilespmem:s20], [sflag:$0x7] =	stream.linear.gather [hbm4b:s25+s3], $0x4000, $0x38;
	[tilespmem:$0x1D800] =	vst v63  }
0x2a: {  	_ =	swait.ge [sflag:s30], $0x4000  }
0x2b: {  	[sflag:s30] =	ssyncset.done $0x0  }
0x2c: {  	[sflag:s30] =	ssyncadd.s32 $0xFFFFC000  }
0x2d: {  	[spmem:s24] =	stream.linear.scatter [tilespmem:s20], [sflag:$0x7], $0x4000, $0x38;
	[tilespmem:$0x1D800] =	vst v63  }
0x2e: {  	_ =	swait.ge [sflag:s30], $0x4000  }
0x2f: {  	[sflag:s30] =	ssyncset.done $0x0  }
0x30: {  	[sflag:s30] =	ssyncadd.s32 $0xFFFFC000  }
0x31: {  	[spmem:s22] =	stream.linear.scatter [tilespmem:s20], [sflag:$0x7], $0x4000, $0x38;
	[tilespmem:$0x1D800] =	vst v63  }
0x32: {  	_ =	swait.ge [sflag:s30], $0x4000  }
0x33: {  	[sflag:s30] =	ssyncset.done $0x0  }
0x34: {  	[sflag:s30] =	ssyncadd.s32 $0xFFFFC000  }
0x35: {  	[spmem:s23] =	stream.linear.scatter [tilespmem:s20], [sflag:$0x7], $0x4000, $0x38;
	[tilespmem:$0x1D800] =	vst v63  }
0x36: {  	_ =	swait.ge [sflag:s30], $0x4000  }
0x37: {  	[sflag:s30] =	ssyncset.done $0x0  }
0x38: {  	[sflag:s30] =	ssyncadd.s32 $0xFFFFC000  }
0x39: {  	[spmem:s29] =	stream.linear.scatter [tilespmem:s20], [sflag:$0x7], $0x4000, $0x38;
	[tilespmem:$0x1D800] =	vst v63  }
0x3a: {  	_ =	swait.ge [sflag:s30], $0x4000  }
0x3b: {  	[sflag:s30] =	ssyncset.done $0x0  }
0x3c: {  	[sflag:s30] =	ssyncadd.s32 $0xFFFFC000  }
0x3d: {  	[spmem:s26] =	stream.linear.scatter [tilespmem:s20], [sflag:$0x7], $0x4000, $0x38;
	[tilespmem:$0x1D800] =	vst v63  }
0x3e: {  	_ =	swait.ge [sflag:s30], $0x4000  }
0x3f: {  	[sflag:s30] =	ssyncset.done $0x0  }
0x40: {  	s23 =	simm.s32 $0x9300;
	s22 =	rddreg [dreg:$0xc];
	[sflag:s30] =	ssyncadd.s32 $0xFFFFC000  }
0x41: {  	[tilespmem:s23], [sflag:$0x7] =	stream.linear.gather [hbm4b:s22+s3], $0x280, $0x38;
	[tilespmem:$0x1D800] =	vst v63  }
0x42: {  	_ =	swait.ge [sflag:s30], $0x280  }
0x43: {  	[sflag:s30] =	ssyncset.done $0x0  }
0x44: {  	[sflag:s30] =	ssyncadd.s32 $0xFFFFFD80  }
0x45: {  	[spmem:s28] =	stream.linear.scatter [tilespmem:s23], [sflag:$0x7], $0x280, $0x38;
	[tilespmem:$0x1D800] =	vst v63  }
0x46: {  	_ =	swait.ge [sflag:s30], $0x280  }
0x47: {  	[sflag:s30] =	ssyncset.done $0x0  }
0x48: {  	p0 =	por $0x1, $0x1;
	[sflag:s30] =	ssyncadd.s32 $0xFFFFFD80  }
0x49: {  	s21 =	simm.s32 @!p0 $0x5;
	[bflag:$0x0] =	sbarrier.arrive $0xFFFF  }
0x4a: {  	_ =	swait.ge @!p0 [sflag:s21], $0x2800  }
0x4b: {  	[sflag:s21] =	ssyncset.done @!p0 $0x0  }
0x4c: {  	[sflag:s21] =	ssyncadd.s32 @!p0 $0xFFFFD800  }
0x4d: {  	_ =	swait.ge @!p0 [sflag:s21], $0x50  }
0x4e: {  	[sflag:s21] =	ssyncset.done @!p0 $0x0  }
0x4f: {  	[sflag:s21] =	ssyncadd.s32 @!p0 $0xFFFFFFB0;
	s21 =	simm.s32 @!p0 $0x6  }
0x50: {  	_ =	swait.ge @!p0 [sflag:s21], $0x2800  }
0x51: {  	[sflag:s21] =	ssyncset.done @!p0 $0x0  }
0x52: {  	[sflag:s21] =	ssyncadd.s32 @!p0 $0xFFFFD800  }
0x53: {  	_ =	swait.ge @!p0 [sflag:s21], $0x50  }
0x54: {  	[sflag:s21] =	ssyncset.done @!p0 $0x0  }
0x55: {  	s25 =	smov.u32 s24;
	s24 =	sadd.s32 $0x0, s10;
	[sflag:s21] =	ssyncadd.s32 @!p0 $0xFFFFFFB0  }
0x56: {  	[tilespmem:s3], [sflag:$0x1] =	stream.linear.gather [hbm4b:s24+s3], $0x50, $0x38;
	[tilespmem:$0x1D800] =	vst v63  }
0x57: {  	s26 =	sadd.s32 $0x0, s11  }
0x58: {  	[tilespmem:s0], [sflag:$0x1] =	stream.linear.gather [hbm4b:s26+s3], $0x50, $0x38;
	[tilespmem:$0x1D800] =	vst v63  }
0x59: {  	s28 =	sadd.s32 $0x0, s15  }
0x5a: {  	[tilespmem:s4], [sflag:$0x2] =	stream.linear.gather [hbm4b:s28+s3], $0x50, $0x38;
	[tilespmem:$0x1D800] =	vst v63  }
0x5b: {  	s29 =	sadd.s32 $0x0, s14  }
0x5c: {  	[tilespmem:s5], [sflag:$0x2] =	stream.linear.gather [hbm4b:s29+s3], $0x50, $0x38;
	[tilespmem:$0x1D800] =	vst v63  }
0x5d: {  	_ =	swait.ge [sflag:s6], $0x50  }
0x5e: {  	[sflag:s6] =	ssyncset.done $0x0  }
0x5f: {  	[sflag:s6] =	ssyncadd.s32 $0xFFFFFFB0  }
0x60: {  	_ =	swait.ge [sflag:s6], $0x50  }
0x61: {  	[sflag:s6] =	ssyncset.done $0x0  }
0x62: {  	[sflag:s6] =	ssyncadd.s32 $0xFFFFFFB0  }
0x63: {  	[tilespmem:s8], [sflag:$0x3] =	stream.indirect.gather [hbm4b:s16+s7], $0x80, s3, s7, $0xb8;
	[tilespmem:$0x1D800] =	vst v63  }
0x64: {  	_ = 	snop  }
0x65: {  	[tilespmem:s9], [sflag:$0x3] =	stream.indirect.gather [hbm4b:s17+s7], $0x1, s0, s7, $0xb8;
	[tilespmem:$0x1D800] =	vst v63  }
0x66: {  	_ =	swait.ge [sflag:s12], $0x50  }
0x67: {  	[sflag:s12] =	ssyncset.done $0x0  }
0x68: {  	[sflag:s12] =	ssyncadd.s32 $0xFFFFFFB0  }
0x69: {  	_ =	swait.ge [sflag:s12], $0x50  }
0x6a: {  	[sflag:s12] =	ssyncset.done $0x0  }
0x6b: {  	[sflag:s12] =	ssyncadd.s32 $0xFFFFFFB0  }
0x6c: {  	[tilespmem:s13], [sflag:$0x4] =	stream.indirect.gather [hbm4b:s16+s7], $0x80, s4, s7, $0xb8;
	[tilespmem:$0x1D800] =	vst v63  }
0x6d: {  	_ = 	snop  }
0x6e: {  	[tilespmem:s18], [sflag:$0x4] =	stream.indirect.gather [hbm4b:s17+s7], $0x1, s5, s7, $0xb8;
	[tilespmem:$0x1D800] =	vst v63  }
0x6f: {  	_ =	swait.ge [sflag:s19], $0x2800  }
0x70: {  	[sflag:s19] =	ssyncset.done $0x0  }
0x71: {  	[sflag:s19] =	ssyncadd.s32 $0xFFFFD800  }
0x72: {  	_ =	swait.ge [sflag:s19], $0x50  }
0x73: {  	[sflag:s19] =	ssyncset.done $0x0  }
0x74: {  	[sflag:s19] =	ssyncadd.s32 $0xFFFFFFB0  }
0x75: {  	[spmem:s1] =	stream.indirect.scatter.add.f32 [tilespmem:s8], [sflag:$0x5], $0x80, s0, s7, $0xb8;
	[tilespmem:$0x1D800] =	vst v63  }
0x76: {  	_ = 	snop  }
0x77: {  	[spmem:s2] =	stream.indirect.scatter.add.f32 [tilespmem:s9], [sflag:$0x5], $0x1, s3, s7, $0xb8;
	[tilespmem:$0x1D800] =	vst v63  }
0x78: {  	_ =	swait.ge [sflag:s31], $0x2800  }
0x79: {  	[sflag:s31] =	ssyncset.done $0x0  }
0x7a: {  	[sflag:s31] =	ssyncadd.s32 $0xFFFFD800  }
0x7b: {  	_ =	swait.ge [sflag:s31], $0x50  }
0x7c: {  	p1 =	por $0x0, $0x0;
	[sflag:s31] =	ssyncset.done $0x0  }
0x7d: {  	s22 =	simm.s32 $0x28;
	s21 =	simm.s32 $0x14;
	[sflag:s31] =	ssyncadd.s32 $0xFFFFFFB0  }
0x7e: {  	[spmem:s1] =	stream.indirect.scatter.add.f32 [tilespmem:s13], [sflag:$0x6], $0x80, s5, s7, $0xb8;
	[tilespmem:$0x1D800] =	vst v63  }
.LBB2_2:
0x7f: {  	s23 =	simm.s32 @!p1 $0x5;
	s24 =	smov.u32 s22;
	s22 =	sadd.s32 $0x14, s22  }
0x80: {  	[spmem:s2] =	stream.indirect.scatter.add.f32 [tilespmem:s18], [sflag:$0x6], $0x1, s4, s7, $0xb8;
	[tilespmem:$0x1D800] =	vst v63  }
0x81: {  	p0 =	sne.s32 s22, $0x4D8;
	_ =	swait.ge @!p1 [sflag:s23], $0x2800  }
0x82: {  	[sflag:s23] =	ssyncset.done @!p1 $0x0  }
0x83: {  	[sflag:s23] =	ssyncadd.s32 @!p1 $0xFFFFD800  }
0x84: {  	_ =	swait.ge @!p1 [sflag:s23], $0x50  }
0x85: {  	[sflag:s23] =	ssyncset.done @!p1 $0x0  }
0x86: {  	[sflag:s23] =	ssyncadd.s32 @!p1 $0xFFFFFFB0;
	s23 =	simm.s32 @!p1 $0x6  }
0x87: {  	_ =	swait.ge @!p1 [sflag:s23], $0x2800  }
0x88: {  	[sflag:s23] =	ssyncset.done @!p1 $0x0  }
0x89: {  	[sflag:s23] =	ssyncadd.s32 @!p1 $0xFFFFD800  }
0x8a: {  	_ =	swait.ge @!p1 [sflag:s23], $0x50  }
0x8b: {  	[sflag:s23] =	ssyncset.done @!p1 $0x0  }
0x8c: {  	[sflag:s23] =	ssyncadd.s32 @!p1 $0xFFFFFFB0;
	s23 =	sadd.s32 s21, s10  }
0x8d: {  	[tilespmem:s3], [sflag:$0x1] =	stream.linear.gather [hbm4b:s23+s3], $0x50, $0x38;
	[tilespmem:$0x1D800] =	vst v63  }
0x8e: {  	s23 =	sadd.s32 s21, s11  }
0x8f: {  	[tilespmem:s0], [sflag:$0x1] =	stream.linear.gather [hbm4b:s23+s3], $0x50, $0x38;
	[tilespmem:$0x1D800] =	vst v63  }
0x90: {  	s23 =	sadd.s32 s21, s15  }
0x91: {  	[tilespmem:s4], [sflag:$0x2] =	stream.linear.gather [hbm4b:s23+s3], $0x50, $0x38;
	[tilespmem:$0x1D800] =	vst v63  }
0x92: {  	s23 =	sadd.s32 s21, s14;
	s21 =	smov.u32 s24  }
0x93: {  	[tilespmem:s5], [sflag:$0x2] =	stream.linear.gather [hbm4b:s23+s3], $0x50, $0x38;
	[tilespmem:$0x1D800] =	vst v63  }
0x94: {  	_ =	swait.ge [sflag:s6], $0x50  }
0x95: {  	[sflag:s6] =	ssyncset.done $0x0  }
0x96: {  	[sflag:s6] =	ssyncadd.s32 $0xFFFFFFB0  }
0x97: {  	_ =	swait.ge [sflag:s6], $0x50  }
0x98: {  	[sflag:s6] =	ssyncset.done $0x0  }
0x99: {  	[sflag:s6] =	ssyncadd.s32 $0xFFFFFFB0  }
0x9a: {  	[tilespmem:s8], [sflag:$0x3] =	stream.indirect.gather [hbm4b:s16+s7], $0x80, s3, s7, $0xb8;
	[tilespmem:$0x1D800] =	vst v63  }
0x9b: {  	_ = 	snop  }
0x9c: {  	[tilespmem:s9], [sflag:$0x3] =	stream.indirect.gather [hbm4b:s17+s7], $0x1, s0, s7, $0xb8;
	[tilespmem:$0x1D800] =	vst v63  }
0x9d: {  	_ =	swait.ge [sflag:s12], $0x50  }
0x9e: {  	[sflag:s12] =	ssyncset.done $0x0  }
0x9f: {  	[sflag:s12] =	ssyncadd.s32 $0xFFFFFFB0  }
0xa0: {  	_ =	swait.ge [sflag:s12], $0x50  }
0xa1: {  	[sflag:s12] =	ssyncset.done $0x0  }
0xa2: {  	[sflag:s12] =	ssyncadd.s32 $0xFFFFFFB0  }
0xa3: {  	[tilespmem:s13], [sflag:$0x4] =	stream.indirect.gather [hbm4b:s16+s7], $0x80, s4, s7, $0xb8;
	[tilespmem:$0x1D800] =	vst v63  }
0xa4: {  	_ = 	snop  }
0xa5: {  	[tilespmem:s18], [sflag:$0x4] =	stream.indirect.gather [hbm4b:s17+s7], $0x1, s5, s7, $0xb8;
	[tilespmem:$0x1D800] =	vst v63  }
0xa6: {  	_ =	swait.ge [sflag:s19], $0x2800  }
0xa7: {  	[sflag:s19] =	ssyncset.done $0x0  }
0xa8: {  	[sflag:s19] =	ssyncadd.s32 $0xFFFFD800  }
0xa9: {  	_ =	swait.ge [sflag:s19], $0x50  }
0xaa: {  	[sflag:s19] =	ssyncset.done $0x0  }
0xab: {  	[sflag:s19] =	ssyncadd.s32 $0xFFFFFFB0  }
0xac: {  	[spmem:s1] =	stream.indirect.scatter.add.f32 [tilespmem:s8], [sflag:$0x5], $0x80, s0, s7, $0xb8;
	[tilespmem:$0x1D800] =	vst v63  }
0xad: {  	_ = 	snop  }
0xae: {  	[spmem:s2] =	stream.indirect.scatter.add.f32 [tilespmem:s9], [sflag:$0x5], $0x1, s3, s7, $0xb8;
	[tilespmem:$0x1D800] =	vst v63  }
0xaf: {  	_ =	swait.ge [sflag:s31], $0x2800  }
0xb0: {  	[sflag:s31] =	ssyncset.done $0x0  }
.Ltmp0:
0xb1: {  	[sflag:s31] =	ssyncadd.s32 $0xFFFFD800;
	(pc) =	sbr.rel @p0 .LBB2_2-.Ltmp0, $4  }
0xb2: {  	_ =	swait.ge [sflag:s31], $0x50  }
0xb3: {  	[sflag:s31] =	ssyncset.done $0x0  }
0xb4: {  	p1 =	seq.s32 s21, $0x0;
	[sflag:s31] =	ssyncadd.s32 $0xFFFFFFB0  }
0xb5: {  	[spmem:s1] =	stream.indirect.scatter.add.f32 [tilespmem:s13], [sflag:$0x6], $0x80, s5, s7, $0xb8;
	[tilespmem:$0x1D800] =	vst v63  }
0xb6: {  	s22 =	simm.s32 @!p1 $0x5  }
0xb7: {  	[spmem:s2] =	stream.indirect.scatter.add.f32 [tilespmem:s18], [sflag:$0x6], $0x1, s4, s7, $0xb8;
	[tilespmem:$0x1D800] =	vst v63  }
0xb8: {  	_ =	swait.ge @!p1 [sflag:s22], $0x2800  }
0xb9: {  	[sflag:s22] =	ssyncset.done @!p1 $0x0  }
0xba: {  	[sflag:s22] =	ssyncadd.s32 @!p1 $0xFFFFD800  }
0xbb: {  	_ =	swait.ge @!p1 [sflag:s22], $0x50  }
0xbc: {  	[sflag:s22] =	ssyncset.done @!p1 $0x0  }
0xbd: {  	[sflag:s22] =	ssyncadd.s32 @!p1 $0xFFFFFFB0;
	s22 =	simm.s32 @!p1 $0x6  }
0xbe: {  	_ =	swait.ge @!p1 [sflag:s22], $0x2800  }
0xbf: {  	[sflag:s22] =	ssyncset.done @!p1 $0x0  }
0xc0: {  	[sflag:s22] =	ssyncadd.s32 @!p1 $0xFFFFD800  }
0xc1: {  	_ =	swait.ge @!p1 [sflag:s22], $0x50  }
0xc2: {  	[sflag:s22] =	ssyncset.done @!p1 $0x0  }
0xc3: {  	s26 =	sadd.s32 s21, s10;
	[sflag:s22] =	ssyncadd.s32 @!p1 $0xFFFFFFB0  }
0xc4: {  	[tilespmem:s3], [sflag:$0x1] =	stream.linear.gather [hbm4b:s26+s3], $0x50, $0x38;
	[tilespmem:$0x1D800] =	vst v63  }
0xc5: {  	s20 =	sadd.s32 s21, s11  }
0xc6: {  	[tilespmem:s0], [sflag:$0x1] =	stream.linear.gather [hbm4b:s20+s3], $0x50, $0x38;
	[tilespmem:$0x1D800] =	vst v63  }
0xc7: {  	s23 =	sadd.s32 s21, s15  }
0xc8: {  	[tilespmem:s4], [sflag:$0x2] =	stream.linear.gather [hbm4b:s23+s3], $0x50, $0x38;
	[tilespmem:$0x1D800] =	vst v63  }
0xc9: {  	s24 =	sadd.s32 s21, s14  }
0xca: {  	[tilespmem:s5], [sflag:$0x2] =	stream.linear.gather [hbm4b:s24+s3], $0x50, $0x38;
	[tilespmem:$0x1D800] =	vst v63  }
0xcb: {  	_ =	swait.ge [sflag:s6], $0x50  }
0xcc: {  	[sflag:s6] =	ssyncset.done $0x0  }
0xcd: {  	[sflag:s6] =	ssyncadd.s32 $0xFFFFFFB0  }
0xce: {  	_ =	swait.ge [sflag:s6], $0x50  }
0xcf: {  	[sflag:s6] =	ssyncset.done $0x0  }
0xd0: {  	[sflag:s6] =	ssyncadd.s32 $0xFFFFFFB0  }
0xd1: {  	[tilespmem:s8], [sflag:$0x3] =	stream.indirect.gather [hbm4b:s16+s7], $0x80, s3, s7, $0xb8;
	[tilespmem:$0x1D800] =	vst v63  }
0xd2: {  	_ = 	snop  }
0xd3: {  	[tilespmem:s9], [sflag:$0x3] =	stream.indirect.gather [hbm4b:s17+s7], $0x1, s0, s7, $0xb8;
	[tilespmem:$0x1D800] =	vst v63  }
0xd4: {  	_ =	swait.ge [sflag:s12], $0x50  }
0xd5: {  	[sflag:s12] =	ssyncset.done $0x0  }
0xd6: {  	[sflag:s12] =	ssyncadd.s32 $0xFFFFFFB0  }
0xd7: {  	_ =	swait.ge [sflag:s12], $0x50  }
0xd8: {  	[sflag:s12] =	ssyncset.done $0x0  }
0xd9: {  	[sflag:s12] =	ssyncadd.s32 $0xFFFFFFB0  }
0xda: {  	[tilespmem:s13], [sflag:$0x4] =	stream.indirect.gather [hbm4b:s16+s7], $0x80, s4, s7, $0xb8;
	[tilespmem:$0x1D800] =	vst v63  }
0xdb: {  	_ = 	snop  }
0xdc: {  	[tilespmem:s18], [sflag:$0x4] =	stream.indirect.gather [hbm4b:s17+s7], $0x1, s5, s7, $0xb8;
	[tilespmem:$0x1D800] =	vst v63  }
0xdd: {  	_ =	swait.ge [sflag:s19], $0x2800  }
0xde: {  	[sflag:s19] =	ssyncset.done $0x0  }
0xdf: {  	[sflag:s19] =	ssyncadd.s32 $0xFFFFD800  }
0xe0: {  	_ =	swait.ge [sflag:s19], $0x50  }
0xe1: {  	[sflag:s19] =	ssyncset.done $0x0  }
0xe2: {  	[sflag:s19] =	ssyncadd.s32 $0xFFFFFFB0  }
0xe3: {  	[spmem:s1] =	stream.indirect.scatter.add.f32 [tilespmem:s8], [sflag:$0x5], $0x80, s0, s7, $0xb8;
	[tilespmem:$0x1D800] =	vst v63  }
0xe4: {  	_ = 	snop  }
0xe5: {  	[spmem:s2] =	stream.indirect.scatter.add.f32 [tilespmem:s9], [sflag:$0x5], $0x1, s3, s7, $0xb8;
	[tilespmem:$0x1D800] =	vst v63  }
0xe6: {  	_ =	swait.ge [sflag:s31], $0x2800  }
0xe7: {  	[sflag:s31] =	ssyncset.done $0x0  }
0xe8: {  	[sflag:s31] =	ssyncadd.s32 $0xFFFFD800  }
0xe9: {  	_ =	swait.ge [sflag:s31], $0x50  }
0xea: {  	[sflag:s31] =	ssyncset.done $0x0  }
0xeb: {  	[sflag:s31] =	ssyncadd.s32 $0xFFFFFFB0  }
0xec: {  	[spmem:s1] =	stream.indirect.scatter.add.f32 [tilespmem:s13], [sflag:$0x6], $0x80, s5, s7, $0xb8;
	[tilespmem:$0x1D800] =	vst v63  }
0xed: {  	s20 =	simm.s32 $0x5  }
0xee: {  	[spmem:s2] =	stream.indirect.scatter.add.f32 [tilespmem:s18], [sflag:$0x6], $0x1, s4, s7, $0xb8;
	[tilespmem:$0x1D800] =	vst v63  }
0xef: {  	_ =	swait.ge [sflag:s20], $0x2800  }
0xf0: {  	[sflag:s20] =	ssyncset.done $0x0  }
0xf1: {  	[sflag:s20] =	ssyncadd.s32 $0xFFFFD800  }
0xf2: {  	_ =	swait.ge [sflag:s20], $0x50  }
0xf3: {  	[sflag:s20] =	ssyncset.done $0x0  }
0xf4: {  	s26 =	simm.s32 $0x6;
	[sflag:s20] =	ssyncadd.s32 $0xFFFFFFB0  }
0xf5: {  	_ =	swait.ge [sflag:s26], $0x2800  }
0xf6: {  	[sflag:s26] =	ssyncset.done $0x0  }
0xf7: {  	[sflag:s26] =	ssyncadd.s32 $0xFFFFD800  }
0xf8: {  	_ =	swait.ge [sflag:s26], $0x50  }
0xf9: {  	[sflag:s26] =	ssyncset.done $0x0  }
0xfa: {  	s20 =	rddreg [dreg:$0x9];
	[sflag:s26] =	ssyncadd.s32 $0xFFFFFFB0  }
0xfb: {  	[tilespmem:s3], [sflag:$0x7] =	stream.linear.gather [hbm4b:s20+s3], $0x50, $0x38;
	[tilespmem:$0x1D800] =	vst v63  }
0xfc: {  	_ =	swait.ge [sflag:s30], $0x50  }
0xfd: {  	[sflag:s30] =	ssyncset.done $0x0  }
0xfe: {  	s22 =	rddreg [dreg:$0xa];
	[sflag:s30] =	ssyncadd.s32 $0xFFFFFFB0  }
0xff: {  	[tilespmem:s0], [sflag:$0x7] =	stream.linear.gather [hbm4b:s22+s3], $0x50, $0x38;
	[tilespmem:$0x1D800] =	vst v63  }
0x100: {  	_ =	swait.ge [sflag:s30], $0x50  }
0x101: {  	[sflag:s30] =	ssyncset.done $0x0  }
0x102: {  	[sflag:s30] =	ssyncadd.s32 $0xFFFFFFB0  }
0x103: {  	[tilespmem:s8], [sflag:$0x3] =	stream.indirect.gather [hbm4b:s16+s7], $0x80, s3, s7, $0xb8;
	[tilespmem:$0x1D800] =	vst v63  }
0x104: {  	_ =	swait.ge [sflag:s19], $0x2800  }
0x105: {  	[sflag:s19] =	ssyncset.done $0x0  }
0x106: {  	[sflag:s19] =	ssyncadd.s32 $0xFFFFD800  }
0x107: {  	[tilespmem:s9], [sflag:$0x7] =	stream.indirect.gather [hbm4b:s17+s7], $0x1, s0, s7, $0xb8;
	[tilespmem:$0x1D800] =	vst v63  }
0x108: {  	_ =	swait.ge [sflag:s30], $0x50  }
0x109: {  	[sflag:s30] =	ssyncset.done $0x0  }
0x10a: {  	[sflag:s30] =	ssyncadd.s32 $0xFFFFFFB0  }
0x10b: {  	[spmem:s1] =	stream.indirect.scatter.add.f32 [tilespmem:s8], [sflag:$0x7], $0x80, s0, s7, $0xb8;
	[tilespmem:$0x1D800] =	vst v63  }
0x10c: {  	_ =	swait.ge [sflag:s30], $0x2800  }
0x10d: {  	[sflag:s30] =	ssyncset.done $0x0  }
0x10e: {  	[sflag:s30] =	ssyncadd.s32 $0xFFFFD800  }
0x10f: {  	[spmem:s2] =	stream.indirect.scatter.add.f32 [tilespmem:s9], [sflag:$0x7], $0x1, s3, s7, $0xb8;
	[tilespmem:$0x1D800] =	vst v63  }
0x110: {  	_ =	swait.ge [sflag:s30], $0x50  }
0x111: {  	[sflag:s30] =	ssyncset.done $0x0  }
0x112: {  	s23 =	stileid.u32;
	[sflag:s30] =	ssyncadd.s32 $0xFFFFFFB0  }
0x113: {  	s21 =	sshll.u32 s23, $0x6;
	[bflag:$0x0] =	sbarrier.arrive $0xFFFF  }
0x114: {  	s21 =	sor.u32 $0x1C07, s21;
	s24 =	sshrl.u32 s25, $0x3;
	s23 =	rddreg [dreg:$0x4]  }
0x115: {  	[hbm:s23], [sflag:s21] =	dma.local [spmem:s24], $0x800  }
0x116: {  	_ =	swait.ge [sflag:s30], $0x800  }
0x117: {  	[sflag:s30] =	ssyncset.done $0x0;
	s25 =	rddreg [dreg:$0xd]  }
0x118: {  	s20 =	rddreg [dreg:$0x5];
	[sflag:s30] =	ssyncadd.s32 $0xFFFFF800;
	s26 =	sshrl.u32 s25, $0x3  }
0x119: {  	[hbm:s20], [sflag:s21] =	dma.local [spmem:s26], $0x800  }
0x11a: {  	_ =	swait.ge [sflag:s30], $0x800  }
0x11b: {  	[sflag:s30] =	ssyncset.done $0x0;
	s28 =	rddreg [dreg:$0xe]  }
0x11c: {  	s25 =	rddreg [dreg:$0x6];
	[sflag:s30] =	ssyncadd.s32 $0xFFFFF800;
	s24 =	sshrl.u32 s28, $0x3  }
0x11d: {  	[hbm:s25], [sflag:s21] =	dma.local [spmem:s24], $0x800  }
0x11e: {  	_ =	swait.ge [sflag:s30], $0x800  }
0x11f: {  	[sflag:s30] =	ssyncset.done $0x0;
	s29 =	rddreg [dreg:$0xf]  }
0x120: {  	s20 =	rddreg [dreg:$0x7];
	[sflag:s30] =	ssyncadd.s32 $0xFFFFF800;
	s26 =	sshrl.u32 s29, $0x3  }
0x121: {  	[hbm:s20], [sflag:s21] =	dma.local [spmem:s26], $0x800  }
0x122: {  	_ =	swait.ge [sflag:s30], $0x800  }
0x123: {  	[sflag:s30] =	ssyncset.done $0x0;
	s26 =	rddreg [dreg:$0x10]  }
0x124: {  	s25 =	rddreg [dreg:$0x8];
	[sflag:s30] =	ssyncadd.s32 $0xFFFFF800;
	s24 =	sshrl.u32 s26, $0x3  }
0x125: {  	[hbm:s25], [sflag:s21] =	dma.local [spmem:s24], $0x800  }
0x126: {  	s23 =	smov.u32 s28;
	s25 =	simm.s32 $0x20;
	_ =	swait.ge [sflag:s30], $0x800  }
0x127: {  	s24 =	simm.s32 $0x10;
	[sflag:s30] =	ssyncset.done $0x0;
	s28 =	rddreg [dreg:$0x11]  }
0x128: {  	s20 =	rddreg [dreg:$0x12];
	[sflag:s30] =	ssyncadd.s32 $0xFFFFF800;
	s22 =	sshrl.u32 s28, $0x3  }
0x129: {  	[hbm:s20@s25], [sflag:s21] =	dma.strided [spmem:s22@s24], $0x50, s6, $0x10   }
0x12a: {  	s24 =	rddreg [dreg:$0x15]  }
0x12b: {  	s22 =	rddreg [dreg:$0xd];
	_ =	swait.ge [sflag:s30], $0x50  }
0x12c: {  	s20 =	rddreg [dreg:$0x14]  }
0x12d: {  	s25 =	rddreg [dreg:$0x13];
	s21 =	sadd.s32 $0x1, s20  }
0x12e: {  	p0 =	sne.s32 s21, s25  }
.Ltmp1:
0x12f: {  	_ = 	snop;
	(pc) =	sbr.rel @p0 .LBB2_1-.Ltmp1, $3  }
0x130: {  	_ =	sdelay $0x1  }
0x131: {  	[sflag:s30] =	ssyncset.done $0x0  }
0x132: {  	[sflag:s30] =	ssyncadd.s32 $0xFFFFFFB0  }
0x133: {  	_ =	sfence.sel $0x180000  }
0x134: {  	[bflag:$0x0] =	sbarrier.arrive $0xFFFF  }
0x135: {  	_ =	strace $0x9000004A  }
0x136: {  	s0 =	stileid.u32;
	[bflag:$0x2] =	sbarrier.arrive $0xFFFF  }
0x137: {  	p0 =	sne.s32 s0, $0x0;
	s0 =	rddreg [dreg:$0x3]  }
0x138: {  	s0 =	sadd.s32 @!p0 $0x100000, s0  }
0x139: {  	[sflag:s0] =	ssyncadd.tile.s32 @!p0 $0x1;
	_ =	shalt  }
.Lfunc_end2:
_tile_overlayer_lowered:
.L_overlay_start_2:
0x13a: {  	(tag) =	ssettag $0x2  }
0x13b: {  	s0 =	rddreg [dreg:$0x0];
	s2 =	stileid.u32  }
0x13c: {  	s1 =	rddreg [dreg:$0x1];
	p0 =	sne.s32 s2, $0x0  }
0x13d: {  	s3 =	rddreg [dreg:$0x2];
	[bflag:$0x3] =	sbarrier.arrive $0xFFFF;
	s2 =	simm.s32 @!p0 $0x1C07  }
0x13e: {  	[timem:s3], [sflag:s2] =	dma.local @!p0 [hbm:s0], s1  }
0x13f: {  	s0 =	simm.s32 @!p0 $0x7  }
0x140: {  	_ =	swait.ge @!p0 [sflag:s0], s1  }
0x141: {  	s1 =	ssub.s32 @!p0 $0x0, s1;
	[sflag:s0] =	ssyncset.done @!p0 $0x0  }
0x142: {  	[sflag:s0] =	ssyncadd.s32 @!p0 s1  }
0x143: {  	[bflag:$0x3] =	sbarrier.arrive $0xFFFF  }
0x144: {  	_ =	shalt  }

</sc_bundles>
